<compile_context>
chip_gen: v7x
topology: tpu7x:2x2x1
jax: 0.10.2.dev20260603
libtpu: 0.0.44.dev20260713+nightly
codegen_flags: <defaults>
</compile_context>

<pallas_src>
import numpy as np
import jax
import jax.numpy as jnp
from jax.experimental import pallas as pl
from jax.experimental.pallas import tpu as pltpu

F32 = jnp.float32
BF16 = jnp.bfloat16


def _taps(ksize, p, q):
    return [((kh - p) // 2, (kw - q) // 2)
            for kh in range(p, ksize, 2) for kw in range(q, ksize, 2)]


_NT1 = {(p, q): len(_taps(7, p, q)) for p in range(2) for q in range(2)}
_BANDS = 8
_BR = 112 // _BANDS


def _conv_stages(w1_ref, b1_ref, w2e_ref, w2o_ref, b2_ref, out_ref,
                 tl_ref, yb_ref, mp_ref, s1_ref, z2s_ref):
    def _band(b, _):
        def _phase(p, acc):
            lhs = tl_ref[pl.Slice(28 * b + p, 18, 2), :, :]
            ub = jax.lax.bitcast_convert_type(lhs, jnp.uint32)
            ev = jax.lax.bitcast_convert_type(ub << jnp.uint32(16), F32)
            od = jax.lax.bitcast_convert_type(
                ub & jnp.uint32(0xFFFF0000), F32)
            lhs192 = jnp.concatenate([ev, od], axis=2)
            z = jnp.dot(lhs192.reshape(18 * 116, 192),
                        w1_ref[pl.ds(p, 1)].reshape(192, 512),
                        preferred_element_type=F32)
            z3 = z.reshape(18, 116, 512)
            for t_ in range(16):
                sh, sw = t_ // 4, t_ % 4
                acc = acc + z3[sh:sh + 15, sw:sw + 112,
                               32 * t_:32 * t_ + 32]
            return acc

        acc = jax.lax.fori_loop(0, 2, _phase, jnp.zeros((15, 112, 32), F32))
        yb_ref[0:15] = jnp.maximum(acc + b1_ref[...], 0.0)
        ce = yb_ref[0:15, 0:111:2, :]
        co = yb_ref[0:15, 1:112:2, :]
        mw = jnp.maximum(jnp.maximum(ce[:, :55], co[:, :55]), ce[:, 1:56])
        m4 = mw[0:14].reshape(7, 2, 55, 32)
        e, o = m4[:, 0], m4[:, 1]
        e2 = jnp.concatenate([e[1:7], mw[14:15]], axis=0)
        mp_ref[pl.ds(2 + 7 * b, 7), 2:57, :] = \
            jnp.maximum(jnp.maximum(e, o), e2)
        return 0

    jax.lax.fori_loop(0, _BANDS, _band, 0)
    mp_ref[0:2, :, :] = jnp.zeros((2, 60, 32), F32)
    mp_ref[57:60, :, :] = jnp.zeros((3, 60, 32), F32)
    mp_ref[:, 0:2, :] = jnp.zeros((60, 2, 32), F32)
    mp_ref[:, 57:60, :] = jnp.zeros((60, 3, 32), F32)
    lhs_q = {0: mp_ref[:, 0:59:2, :].reshape(1800, 32),
             1: mp_ref[:, 1:60:2, :].reshape(1800, 32)}
    w2refs = {0: w2e_ref, 1: w2o_ref}
    y2 = jnp.zeros((28, 28, 64), F32)
    for q in range(2):
        kws = list(range(q, 5, 2))
        n = 64 * len(kws)

        def _kh(kh, y2_, q=q, kws=kws, n=n):
            z2 = jnp.dot(lhs_q[q], w2refs[q][kh],
                         preferred_element_type=F32)
            z3 = z2.reshape(60, 30, n)
            for t_ in range(len(kws)):
                z2s_ref[t_] = z3[:, :, 64 * t_:64 * t_ + 64]
            for t_, kw in enumerate(kws):
                sw = (kw - q) // 2
                v = z2s_ref[pl.ds(t_, 1), pl.Slice(kh, 28, 2), :, :]
                y2_ = y2_ + v.reshape(28, 30, 64)[:, sw:sw + 28, :]
            return y2_

        y2 = jax.lax.fori_loop(0, 5, _kh, y2)
    y2 = jnp.maximum(y2 + b2_ref[...], 0.0)
    s1_ref[...] = y2.reshape(4, 7, 28, 64).sum(axis=1)
    s2 = jnp.zeros((4, 4, 64), F32)
    for d in range(7):
        s2 = s2 + s1_ref[:, d:d + 22:7, :]
    out_ref[0] = (s2 * (1.0 / 49.0)).reshape(16, 64)


def _k1_body(x_ref, w1_ref, b1_ref, w2e_ref, w2o_ref, b2_ref,
             out_ref, tl_ref, yb_ref, mp_ref, s1_ref, z2s_ref):
    rc = pl.program_id(1)

    @pl.when(rc == 0)
    def _zero():
        tl_ref[0:3, :, :] = jnp.zeros((3, 116, 96), F32)
        tl_ref[227:232, :, :] = jnp.zeros((5, 116, 96), F32)
        tl_ref[:, 0:2, :] = jnp.zeros((232, 2, 96), F32)
        tl_ref[:, 114:116, :] = jnp.zeros((232, 2, 96), F32)

    t = jnp.transpose(x_ref[0, :, :, :], (1, 2, 0))
    tl_ref[pl.ds(3 + 32 * rc, 32), 2:114, :] = t

    @pl.when(rc == 6)
    def _compute():
        _conv_stages(w1_ref, b1_ref, w2e_ref, w2o_ref, b2_ref, out_ref,
                     tl_ref, yb_ref, mp_ref, s1_ref, z2s_ref)


def _k3_body(f_ref, w1_ref, b1_ref, g_ref, bt_ref, w2_ref, b2_ref, t_ref,
             gates_ref, idx_ref, logits_ref):
    z = jnp.dot(f_ref[...], w1_ref[...], preferred_element_type=F32) + b1_ref[...]
    mu = jnp.mean(z, axis=1, keepdims=True)
    zc = z - mu
    var = jnp.mean(zc * zc, axis=1, keepdims=True)
    zn = zc / jnp.sqrt(var + 1e-5) * g_ref[...] + bt_ref[...]
    ge = 0.5 * zn * (1.0 + jax.lax.erf(zn * np.float32(1.0 / np.sqrt(2.0))))
    lg = jnp.dot(ge, w2_ref[...], preferred_element_type=F32) + b2_ref[...]
    t = jnp.clip(t_ref[0], 0.5, 5.0)
    lg = lg / t
    logits_ref[...] = lg
    iota = jax.lax.broadcasted_iota(jnp.int32, (16, 64), 1)
    big = jnp.int32(1 << 30)
    m1 = jnp.max(lg, axis=1, keepdims=True)
    i1 = jnp.min(jnp.where(lg == m1, iota, big), axis=1, keepdims=True)
    masked = jnp.where(iota == i1, -jnp.inf, lg)
    m2 = jnp.max(masked, axis=1, keepdims=True)
    i2 = jnp.min(jnp.where(masked == m2, iota, big), axis=1, keepdims=True)
    e2 = jnp.exp(m2 - m1)
    sm = 1.0 + e2
    g1 = 1.0 / sm
    g2 = e2 / sm
    ssum = g1 + g2
    g1 = g1 / (ssum + 1e-10)
    g2 = g2 / (ssum + 1e-10)
    gates_ref[...] = jnp.where(iota == i1, g1, 0.0) + jnp.where(iota == i2, g2, 0.0)
    idx_ref[...] = jnp.concatenate([i1, i2], axis=1)


def kernel(x, conv1_w, conv1_b, conv2_w, conv2_b, fc1_w, fc1_b,
           ln_g, ln_b, fc2_w, fc2_b, temperature):
    B = 16
    xb = x.astype(jnp.bfloat16).reshape(16, 96, 224, 112, 2)
    xpk = jax.lax.bitcast_convert_type(xb, jnp.float32)
    phs = []
    for p in range(2):
        cols = []
        for sh in range(4):
            kh = p + 2 * sh
            for sw in range(4):
                blk = jnp.zeros((2, 96, 32), jnp.float32)
                for r in range(2):
                    kw = 2 * sw + r - 1
                    if 0 <= kw <= 6 and kh <= 6:
                        blk = blk.at[r].set(conv1_w[:, :, kh, kw].T)
                cols.append(blk.reshape(192, 32))
        phs.append(jnp.concatenate(cols, axis=1))
    w1all = jnp.stack(phs, axis=0)
    w2q = {}
    for q in range(2):
        w2q[q] = jnp.stack(
            [jnp.concatenate([conv2_w[:, :, kh, kw].T
                              for kw in range(q, 5, 2)], axis=1)
             for kh in range(5)], axis=0)
    b1 = conv1_b.reshape(1, 1, 32)
    b2 = conv2_b.reshape(1, 1, 64)

    flat = pl.pallas_call(
        _k1_body,
        grid=(B, 7),
        in_specs=[
            pl.BlockSpec((1, 96, 32, 112), lambda b, rc: (b, 0, rc, 0)),
            pl.BlockSpec((2, 192, 512), lambda b, rc: (0, 0, 0)),
            pl.BlockSpec((1, 1, 32), lambda b, rc: (0, 0, 0)),
            pl.BlockSpec((5, 32, 192), lambda b, rc: (0, 0, 0)),
            pl.BlockSpec((5, 32, 128), lambda b, rc: (0, 0, 0)),
            pl.BlockSpec((1, 1, 64), lambda b, rc: (0, 0, 0)),
        ],
        out_specs=pl.BlockSpec((1, 16, 64), lambda b, rc: (b, 0, 0)),
        out_shape=jax.ShapeDtypeStruct((B, 16, 64), F32),
        scratch_shapes=[
            pltpu.VMEM((232, 116, 96), F32),
            pltpu.VMEM((16, 112, 32), F32),
            pltpu.VMEM((60, 60, 32), F32),
            pltpu.VMEM((4, 28, 64), F32),
            pltpu.VMEM((3, 60, 30, 64), F32),
        ],
        compiler_params=pltpu.CompilerParams(
            vmem_limit_bytes=66 * 1024 * 1024),
    )(xpk, w1all, b1, w2q[0], w2q[1], b2)
    flat = flat.reshape(B, 1024)

    fc1_wp = fc1_w.reshape(128, 64, 4, 4).transpose(0, 2, 3, 1).reshape(128, 1024).T
    fc2_wt = fc2_w.T
    gates, idx, logits = pl.pallas_call(
        _k3_body,
        in_specs=[
            pl.BlockSpec((16, 1024), lambda: (0, 0)),
            pl.BlockSpec((1024, 128), lambda: (0, 0)),
            pl.BlockSpec((1, 128), lambda: (0, 0)),
            pl.BlockSpec((1, 128), lambda: (0, 0)),
            pl.BlockSpec((1, 128), lambda: (0, 0)),
            pl.BlockSpec((128, 64), lambda: (0, 0)),
            pl.BlockSpec((1, 64), lambda: (0, 0)),
            pl.BlockSpec(memory_space=pltpu.SMEM),
        ],
        out_specs=(
            pl.BlockSpec((16, 64), lambda: (0, 0)),
            pl.BlockSpec((16, 2), lambda: (0, 0)),
            pl.BlockSpec((16, 64), lambda: (0, 0)),
        ),
        out_shape=(
            jax.ShapeDtypeStruct((16, 64), F32),
            jax.ShapeDtypeStruct((16, 2), jnp.int32),
            jax.ShapeDtypeStruct((16, 64), F32),
        ),
    )(flat, fc1_wp, fc1_b.reshape(1, 128), ln_g.reshape(1, 128),
      ln_b.reshape(1, 128), fc2_wt, fc2_b.reshape(1, 64),
      temperature.reshape(1))
    return (gates, idx, logits)

# --- scband reference (transcript-rebuilt; emitter-appended) ---
"""Pipeline reference for scband-improved-gate-89687507075526 (READ-ONLY COPY).

The authoritative reference and input builder live on the scoring server;
editing this copy changes nothing except your own understanding.
"""

import jax, jax.numpy as jnp
import numpy as np


def _conv2d(x, w, b, stride, padding):
    out = jax.lax.conv_general_dilated(
        x, w,
        window_strides=(stride, stride),
        padding=[(padding, padding), (padding, padding)],
        dimension_numbers=('NCHW', 'OIHW', 'NCHW'))
    return out + b[None, :, None, None]


def _maxpool(x, k, s):
    return jax.lax.reduce_window(x, -jnp.inf, jax.lax.max,
                                 (1, 1, k, k), (1, 1, s, s), 'VALID')


def _layernorm(z, g, b, eps=1e-5):
    mu = z.mean(axis=-1, keepdims=True)
    var = ((z - mu) ** 2).mean(axis=-1, keepdims=True)
    return (z - mu) / jnp.sqrt(var + eps) * g + b


def setup_inputs(seed: int = 0):
    key = jax.random.key(seed)
    ks = jax.random.split(key, 8)
    B, C, H, W = 16, 96, 224, 224
    E, HID = 64, 128
    x = jax.random.normal(ks[0], (B, C, H, W), dtype=jnp.float32)
    conv1_w = jax.random.normal(ks[1], (32, C, 7, 7), dtype=jnp.float32) * (1.0 / np.sqrt(C * 49))
    conv1_b = jnp.zeros((32,), jnp.float32)
    conv2_w = jax.random.normal(ks[2], (64, 32, 5, 5), dtype=jnp.float32) * (1.0 / np.sqrt(32 * 25))
    conv2_b = jnp.zeros((64,), jnp.float32)
    fc1_w = jax.random.normal(ks[3], (HID, 64 * 4 * 4), dtype=jnp.float32) * (1.0 / np.sqrt(64 * 16))
    fc1_b = jnp.zeros((HID,), jnp.float32)
    ln_g = jnp.ones((HID,), jnp.float32)
    ln_b = jnp.zeros((HID,), jnp.float32)
    fc2_w = jax.random.normal(ks[4], (E, HID), dtype=jnp.float32) * (1.0 / np.sqrt(HID))
    fc2_b = jnp.zeros((E,), jnp.float32)
    temperature = jnp.asarray(2.0, dtype=jnp.float32)
    return {'x': x, 'conv1_w': conv1_w, 'conv1_b': conv1_b,
            'conv2_w': conv2_w, 'conv2_b': conv2_b,
            'fc1_w': fc1_w, 'fc1_b': fc1_b,
            'ln_g': ln_g, 'ln_b': ln_b,
            'fc2_w': fc2_w, 'fc2_b': fc2_b,
            'temperature': temperature}


def reference(x, conv1_w, conv1_b, conv2_w, conv2_b, fc1_w, fc1_b,
              ln_g, ln_b, fc2_w, fc2_b, temperature):
    top_k = 2
    h = jax.nn.relu(_conv2d(x, conv1_w, conv1_b, stride=2, padding=3))
    h = _maxpool(h, 3, 2)
    h = jax.nn.relu(_conv2d(h, conv2_w, conv2_b, stride=2, padding=2))
    # AdaptiveAvgPool2d((4,4)); spatial dims divide evenly (28 -> 4)
    B, Cc, Hh, Ww = h.shape
    h = h.reshape(B, Cc, 4, Hh // 4, 4, Ww // 4).mean(axis=(3, 5))
    flat = h.reshape(B, -1)
    z = flat @ fc1_w.T + fc1_b
    z = _layernorm(z, ln_g, ln_b)
    z = jax.nn.gelu(z, approximate=False)
    # dropout is identity in eval mode
    gate_logits = z @ fc2_w.T + fc2_b
    gate_logits = gate_logits / jnp.clip(temperature, 0.5, 5.0)
    top_k_logits, top_k_indices = jax.lax.top_k(gate_logits, top_k)
    top_k_gates = jax.nn.softmax(top_k_logits, axis=-1)
    top_k_gates = top_k_gates / (top_k_gates.sum(axis=-1, keepdims=True) + 1e-10)
    rows = jnp.arange(B)[:, None]
    gates = jnp.zeros_like(gate_logits).at[rows, top_k_indices].set(top_k_gates)
    return (gates, top_k_indices, gate_logits)

if __name__ == "__main__":
    import jax
    _d = setup_inputs()
    print(jax.jit(kernel)(*tuple(_d.values())))

</pallas_src>

<mosaic_0001>
module attributes {stable_mosaic.version = 14 : i64} {
  func.func @_k3_body(%arg0: memref<16x1024xf32, #tpu.memory_space<vmem>>, %arg1: memref<1024x128xf32, #tpu.memory_space<vmem>>, %arg2: memref<1x128xf32, #tpu.memory_space<vmem>>, %arg3: memref<1x128xf32, #tpu.memory_space<vmem>>, %arg4: memref<1x128xf32, #tpu.memory_space<vmem>>, %arg5: memref<128x64xf32, #tpu.memory_space<vmem>>, %arg6: memref<1x64xf32, #tpu.memory_space<vmem>>, %arg7: memref<1xf32, #tpu.memory_space<smem>>, %arg8: memref<16x64xf32, #tpu.memory_space<vmem>>, %arg9: memref<16x2xi32, #tpu.memory_space<vmem>>, %arg10: memref<16x64xf32, #tpu.memory_space<vmem>>) attributes {dimension_semantics = [], scalar_prefetch = 0 : i64, scratch_operands = 0 : i64, tpu.core_type = #tpu.core_type<tc>} {
    %get3A = arith.constant 0 : index
    %get3A_0 = arith.constant 0 : index
    %get3A_1 = vector.load %arg0[%get3A, %get3A_0] : memref<16x1024xf32, #tpu.memory_space<vmem>>, vector<16x1024xf32>
    %get3A_2 = arith.constant 0 : index
    %get3A_3 = arith.constant 0 : index
    %get3A_4 = vector.load %arg1[%get3A_2, %get3A_3] : memref<1024x128xf32, #tpu.memory_space<vmem>>, vector<1024x128xf32>
    %dot_general3A = arith.constant dense<0.000000e+00> : vector<16x128xf32>
    %dot_general3A_5 = tpu.matmul %get3A_1, %get3A_4, %dot_general3A {dimension_numbers = #tpu.dot_dimension_numbers<[1], [0], [0], [1], [0, 0, 1, 1], [], []>, transpose_lhs_hint = false} : vector<16x1024xf32>, vector<1024x128xf32>, vector<16x128xf32> -> vector<16x128xf32>
    %get3A_6 = arith.constant 0 : index
    %get3A_7 = arith.constant 0 : index
    %get3A_8 = vector.load %arg2[%get3A_6, %get3A_7] : memref<1x128xf32, #tpu.memory_space<vmem>>, vector<1x128xf32>
    %add3A = vector.broadcast %get3A_8 : vector<1x128xf32> to vector<16x128xf32>
    %add3A_9 = arith.addf %dot_general3A_5, %add3A : vector<16x128xf32>
    %reduce_sum3A = arith.constant dense<0.000000e+00> : vector<16xf32>
    %reduce_sum3A_10 = vector.multi_reduction <add>, %add3A_9, %reduce_sum3A [1] : vector<16x128xf32> to vector<16xf32>
    %broadcast_in_dim3A = vector.shape_cast %reduce_sum3A_10 : vector<16xf32> to vector<16x1xf32>
    %div3A = arith.constant 1.280000e+02 : f32
    %div3A_11 = vector.broadcast %div3A : f32 to vector<16x1xf32>
    %div3A_12 = arith.divf %broadcast_in_dim3A, %div3A_11 : vector<16x1xf32>
    %sub3A = vector.broadcast %div3A_12 : vector<16x1xf32> to vector<16x128xf32>
    %sub3A_13 = arith.subf %add3A_9, %sub3A : vector<16x128xf32>
    %mul3A = arith.mulf %sub3A_13, %sub3A_13 : vector<16x128xf32>
    %reduce_sum3A_14 = arith.constant dense<0.000000e+00> : vector<16xf32>
    %reduce_sum3A_15 = vector.multi_reduction <add>, %mul3A, %reduce_sum3A_14 [1] : vector<16x128xf32> to vector<16xf32>
    %broadcast_in_dim3A_16 = vector.shape_cast %reduce_sum3A_15 : vector<16xf32> to vector<16x1xf32>
    %div3A_17 = arith.constant 1.280000e+02 : f32
    %div3A_18 = vector.broadcast %div3A_17 : f32 to vector<16x1xf32>
    %div3A_19 = arith.divf %broadcast_in_dim3A_16, %div3A_18 : vector<16x1xf32>
    %add3A_20 = arith.constant 9.99999974E-6 : f32
    %add3A_21 = vector.broadcast %add3A_20 : f32 to vector<16x1xf32>
    %add3A_22 = arith.addf %div3A_19, %add3A_21 : vector<16x1xf32>
    %sqrt3A = math.sqrt %add3A_22 : vector<16x1xf32>
    %div3A_23 = vector.broadcast %sqrt3A : vector<16x1xf32> to vector<16x128xf32>
    %div3A_24 = arith.divf %sub3A_13, %div3A_23 : vector<16x128xf32>
    %get3A_25 = arith.constant 0 : index
    %get3A_26 = arith.constant 0 : index
    %get3A_27 = vector.load %arg3[%get3A_25, %get3A_26] : memref<1x128xf32, #tpu.memory_space<vmem>>, vector<1x128xf32>
    %mul3A_28 = vector.broadcast %get3A_27 : vector<1x128xf32> to vector<16x128xf32>
    %mul3A_29 = arith.mulf %div3A_24, %mul3A_28 : vector<16x128xf32>
    %get3A_30 = arith.constant 0 : index
    %get3A_31 = arith.constant 0 : index
    %get3A_32 = vector.load %arg4[%get3A_30, %get3A_31] : memref<1x128xf32, #tpu.memory_space<vmem>>, vector<1x128xf32>
    %add3A_33 = vector.broadcast %get3A_32 : vector<1x128xf32> to vector<16x128xf32>
    %add3A_34 = arith.addf %mul3A_29, %add3A_33 : vector<16x128xf32>
    %mul3A_35 = arith.constant 5.000000e-01 : f32
    %mul3A_36 = vector.broadcast %mul3A_35 : f32 to vector<16x128xf32>
    %mul3A_37 = arith.mulf %mul3A_36, %add3A_34 : vector<16x128xf32>
    %mul3A_38 = arith.constant 0.707106769 : f32
    %mul3A_39 = vector.broadcast %mul3A_38 : f32 to vector<16x128xf32>
    %mul3A_40 = arith.mulf %add3A_34, %mul3A_39 : vector<16x128xf32>
    %erf3A = math.erf %mul3A_40 : vector<16x128xf32>
    %add3A_41 = arith.constant 1.000000e+00 : f32
    %add3A_42 = vector.broadcast %add3A_41 : f32 to vector<16x128xf32>
    %add3A_43 = arith.addf %add3A_42, %erf3A : vector<16x128xf32>
    %mul3A_44 = arith.mulf %mul3A_37, %add3A_43 : vector<16x128xf32>
    %get3A_45 = arith.constant 0 : index
    %get3A_46 = arith.constant 0 : index
    %get3A_47 = vector.load %arg5[%get3A_45, %get3A_46] : memref<128x64xf32, #tpu.memory_space<vmem>>, vector<128x64xf32>
    %dot_general3A_48 = arith.constant dense<0.000000e+00> : vector<16x64xf32>
    %dot_general3A_49 = tpu.matmul %mul3A_44, %get3A_47, %dot_general3A_48 {dimension_numbers = #tpu.dot_dimension_numbers<[1], [0], [0], [1], [0, 0, 1, 1], [], []>, transpose_lhs_hint = false} : vector<16x128xf32>, vector<128x64xf32>, vector<16x64xf32> -> vector<16x64xf32>
    %get3A_50 = arith.constant 0 : index
    %get3A_51 = arith.constant 0 : index
    %get3A_52 = vector.load %arg6[%get3A_50, %get3A_51] : memref<1x64xf32, #tpu.memory_space<vmem>>, vector<1x64xf32>
    %add3A_53 = vector.broadcast %get3A_52 : vector<1x64xf32> to vector<16x64xf32>
    %add3A_54 = arith.addf %dot_general3A_49, %add3A_53 : vector<16x64xf32>
    %get3A_55 = arith.constant 0 : index
    %get3A_56 = memref.load %arg7[%get3A_55] : memref<1xf32, #tpu.memory_space<smem>>
    %jit3A = arith.constant 5.000000e-01 : f32
    %jit3A_57 = arith.constant 5.000000e+00 : f32
    %max3A = arith.maximumf %jit3A, %get3A_56 : f32
    %min3A = arith.minimumf %jit3A_57, %max3A : f32
    %div3A_58 = vector.broadcast %min3A : f32 to vector<16x64xf32>
    %div3A_59 = arith.divf %add3A_54, %div3A_58 : vector<16x64xf32>
    %swap3A = arith.constant 0 : index
    %swap3A_60 = arith.constant 0 : index
    %swap3A_61 = vector.load %arg10[%swap3A, %swap3A_60] : memref<16x64xf32, #tpu.memory_space<vmem>>, vector<16x64xf32>
    tpu.vector_store %arg10[%swap3A, %swap3A_60], %div3A_59 {strides = array<i32>} : memref<16x64xf32, #tpu.memory_space<vmem>>, vector<16x64xf32>,
    %iota3A = tpu.iota {dimensions = array<i32: 1>} : vector<16x64xi32>
    %reduce_max3A = arith.constant dense<0xFF800000> : vector<16xf32>
    %reduce_max3A_62 = vector.multi_reduction <maximumf>, %div3A_59, %reduce_max3A [1] : vector<16x64xf32> to vector<16xf32>
    %broadcast_in_dim3A_63 = vector.shape_cast %reduce_max3A_62 : vector<16xf32> to vector<16x1xf32>
    %eq3A = vector.broadcast %broadcast_in_dim3A_63 : vector<16x1xf32> to vector<16x64xf32>
    %eq3A_64 = arith.cmpf oeq, %div3A_59, %eq3A : vector<16x64xf32>
    %jit3A_65 = arith.constant 1073741824 : i32
    %broadcast_in_dim3A_66 = vector.broadcast %jit3A_65 : i32 to vector<16x64xi32>
    %select_n3A = arith.select %eq3A_64, %iota3A, %broadcast_in_dim3A_66 : vector<16x64xi1>, vector<16x64xi32>
    %reduce_min3A = arith.constant dense<2147483647> : vector<16xi32>
    %reduce_min3A_67 = vector.multi_reduction <minsi>, %select_n3A, %reduce_min3A [1] : vector<16x64xi32> to vector<16xi32>
    %broadcast_in_dim3A_68 = vector.shape_cast %reduce_min3A_67 : vector<16xi32> to vector<16x1xi32>
    %eq3A_69 = vector.broadcast %broadcast_in_dim3A_68 : vector<16x1xi32> to vector<16x64xi32>
    %eq3A_70 = arith.cmpi eq, %iota3A, %eq3A_69 : vector<16x64xi32>
    %jit3A_71 = arith.constant 0xFF800000 : f32
    %broadcast_in_dim3A_72 = vector.broadcast %jit3A_71 : f32 to vector<16x64xf32>
    %select_n3A_73 = arith.select %eq3A_70, %broadcast_in_dim3A_72, %div3A_59 : vector<16x64xi1>, vector<16x64xf32>
    %reduce_max3A_74 = arith.constant dense<0xFF800000> : vector<16xf32>
    %reduce_max3A_75 = vector.multi_reduction <maximumf>, %select_n3A_73, %reduce_max3A_74 [1] : vector<16x64xf32> to vector<16xf32>
    %broadcast_in_dim3A_76 = vector.shape_cast %reduce_max3A_75 : vector<16xf32> to vector<16x1xf32>
    %eq3A_77 = vector.broadcast %broadcast_in_dim3A_76 : vector<16x1xf32> to vector<16x64xf32>
    %eq3A_78 = arith.cmpf oeq, %select_n3A_73, %eq3A_77 : vector<16x64xf32>
    %jit3A_79 = arith.constant 1073741824 : i32
    %broadcast_in_dim3A_80 = vector.broadcast %jit3A_79 : i32 to vector<16x64xi32>
    %select_n3A_81 = arith.select %eq3A_78, %iota3A, %broadcast_in_dim3A_80 : vector<16x64xi1>, vector<16x64xi32>
    %reduce_min3A_82 = arith.constant dense<2147483647> : vector<16xi32>
    %reduce_min3A_83 = vector.multi_reduction <minsi>, %select_n3A_81, %reduce_min3A_82 [1] : vector<16x64xi32> to vector<16xi32>
    %broadcast_in_dim3A_84 = vector.shape_cast %reduce_min3A_83 : vector<16xi32> to vector<16x1xi32>
    %sub3A_85 = arith.subf %broadcast_in_dim3A_76, %broadcast_in_dim3A_63 : vector<16x1xf32>
    %exp3A = math.exp %sub3A_85 : vector<16x1xf32>
    %add3A_86 = arith.constant 1.000000e+00 : f32
    %add3A_87 = vector.broadcast %add3A_86 : f32 to vector<16x1xf32>
    %add3A_88 = arith.addf %add3A_87, %exp3A : vector<16x1xf32>
    %div3A_89 = arith.constant 1.000000e+00 : f32
    %div3A_90 = vector.broadcast %div3A_89 : f32 to vector<16x1xf32>
    %div3A_91 = arith.divf %div3A_90, %add3A_88 : vector<16x1xf32>
    %div3A_92 = arith.divf %exp3A, %add3A_88 : vector<16x1xf32>
    %add3A_93 = arith.addf %div3A_91, %div3A_92 : vector<16x1xf32>
    %add3A_94 = arith.constant 1.000000e-10 : f32
    %add3A_95 = vector.broadcast %add3A_94 : f32 to vector<16x1xf32>
    %add3A_96 = arith.addf %add3A_93, %add3A_95 : vector<16x1xf32>
    %div3A_97 = arith.divf %div3A_91, %add3A_96 : vector<16x1xf32>
    %add3A_98 = arith.constant 1.000000e-10 : f32
    %add3A_99 = vector.broadcast %add3A_98 : f32 to vector<16x1xf32>
    %add3A_100 = arith.addf %add3A_93, %add3A_99 : vector<16x1xf32>
    %div3A_101 = arith.divf %div3A_92, %add3A_100 : vector<16x1xf32>
    %eq3A_102 = vector.broadcast %broadcast_in_dim3A_68 : vector<16x1xi32> to vector<16x64xi32>
    %eq3A_103 = arith.cmpi eq, %iota3A, %eq3A_102 : vector<16x64xi32>
    %jit3A_104 = arith.constant 0.000000e+00 : f32
    %broadcast_in_dim3A_105 = vector.shape_cast %div3A_97 : vector<16x1xf32> to vector<16x1xf32>
    %broadcast_in_dim3A_106 = vector.broadcast %broadcast_in_dim3A_105 : vector<16x1xf32> to vector<16x64xf32>
    %broadcast_in_dim3A_107 = vector.broadcast %jit3A_104 : f32 to vector<16x64xf32>
    %select_n3A_108 = arith.select %eq3A_103, %broadcast_in_dim3A_106, %broadcast_in_dim3A_107 : vector<16x64xi1>, vector<16x64xf32>
    %eq3A_109 = vector.broadcast %broadcast_in_dim3A_84 : vector<16x1xi32> to vector<16x64xi32>
    %eq3A_110 = arith.cmpi eq, %iota3A, %eq3A_109 : vector<16x64xi32>
    %jit3A_111 = arith.constant 0.000000e+00 : f32
    %broadcast_in_dim3A_112 = vector.shape_cast %div3A_101 : vector<16x1xf32> to vector<16x1xf32>
    %broadcast_in_dim3A_113 = vector.broadcast %broadcast_in_dim3A_112 : vector<16x1xf32> to vector<16x64xf32>
    %broadcast_in_dim3A_114 = vector.broadcast %jit3A_111 : f32 to vector<16x64xf32>
    %select_n3A_115 = arith.select %eq3A_110, %broadcast_in_dim3A_113, %broadcast_in_dim3A_114 : vector<16x64xi1>, vector<16x64xf32>
    %add3A_116 = arith.addf %select_n3A_108, %select_n3A_115 : vector<16x64xf32>
    %swap3A_117 = arith.constant 0 : index
    %swap3A_118 = arith.constant 0 : index
    %swap3A_119 = vector.load %arg8[%swap3A_117, %swap3A_118] : memref<16x64xf32, #tpu.memory_space<vmem>>, vector<16x64xf32>
    tpu.vector_store %arg8[%swap3A_117, %swap3A_118], %add3A_116 {strides = array<i32>} : memref<16x64xf32, #tpu.memory_space<vmem>>, vector<16x64xf32>,
    %concatenate3A = tpu.concatenate %broadcast_in_dim3A_68, %broadcast_in_dim3A_84 in 1 : vector<16x1xi32>, vector<16x1xi32> -> vector<16x2xi32>
    %swap3A_120 = arith.constant 0 : index
    %swap3A_121 = arith.constant 0 : index
    %swap3A_122 = vector.load %arg9[%swap3A_120, %swap3A_121] : memref<16x2xi32, #tpu.memory_space<vmem>>, vector<16x2xi32>
    tpu.vector_store %arg9[%swap3A_120, %swap3A_121], %concatenate3A {strides = array<i32>} : memref<16x2xi32, #tpu.memory_space<vmem>>, vector<16x2xi32>,
    return
  }
}

module attributes {stable_mosaic.version = 14 : i64} {
  func.func @_k1_body(%arg0: i32, %arg1: i32, %arg2: memref<1x96x32x112xf32, #tpu.memory_space<vmem>>, %arg3: memref<2x192x512xf32, #tpu.memory_space<vmem>>, %arg4: memref<1x1x32xf32, #tpu.memory_space<vmem>>, %arg5: memref<5x32x192xf32, #tpu.memory_space<vmem>>, %arg6: memref<5x32x128xf32, #tpu.memory_space<vmem>>, %arg7: memref<1x1x64xf32, #tpu.memory_space<vmem>>, %arg8: memref<1x16x64xf32, #tpu.memory_space<vmem>>, %arg9: memref<232x116x96xf32, #tpu.memory_space<vmem>>, %arg10: memref<16x112x32xf32, #tpu.memory_space<vmem>>, %arg11: memref<60x60x32xf32, #tpu.memory_space<vmem>>, %arg12: memref<4x28x64xf32, #tpu.memory_space<vmem>>, %arg13: memref<3x60x30x64xf32, #tpu.memory_space<vmem>>) attributes {dimension_semantics = [#tpu.dimension_semantics<arbitrary>, #tpu.dimension_semantics<arbitrary>], iteration_bounds = array<i64: 16, 7>, scalar_prefetch = 0 : i64, scratch_operands = 5 : i64, tpu.core_type = #tpu.core_type<tc>, window_params = [{transform_indices = @transform_0, window_bounds = array<i64: 1, 96, 32, 112>}, {pipeline_mode = #tpu.pipeline_mode<synchronous>, transform_indices = @transform_1, window_bounds = array<i64: 2, 192, 512>}, {pipeline_mode = #tpu.pipeline_mode<synchronous>, transform_indices = @transform_2, window_bounds = array<i64: 1, 1, 32>}, {pipeline_mode = #tpu.pipeline_mode<synchronous>, transform_indices = @transform_3, window_bounds = array<i64: 5, 32, 192>}, {pipeline_mode = #tpu.pipeline_mode<synchronous>, transform_indices = @transform_4, window_bounds = array<i64: 5, 32, 128>}, {pipeline_mode = #tpu.pipeline_mode<synchronous>, transform_indices = @transform_5, window_bounds = array<i64: 1, 1, 64>}, {transform_indices = @transform_6, window_bounds = array<i64: 1, 16, 64>}]} {
    %eq3A = arith.constant 0 : i32
    %eq3A_0 = arith.cmpi eq, %arg1, %eq3A : i32
    %convert_element_type3A = arith.extui %eq3A_0 : i1 to i32
    %cond3A = arith.constant 0 : i32
    %cond3A_1 = arith.cmpi ne, %convert_element_type3A, %cond3A : i32
    scf.if %cond3A_1 {
      %broadcast_in_dim3A = arith.constant 0.000000e+00 : f32
      %broadcast_in_dim3A_17 = vector.broadcast %broadcast_in_dim3A : f32 to vector<3x116x96xf32>
      %swap3A_18 = arith.constant 0 : index
      %swap3A_19 = arith.constant 0 : index
      %swap3A_20 = arith.constant 0 : index
      %swap3A_21 = vector.load %arg9[%swap3A_18, %swap3A_19, %swap3A_20] : memref<232x116x96xf32, #tpu.memory_space<vmem>>, vector<3x116x96xf32>
      tpu.vector_store %arg9[%swap3A_18, %swap3A_19, %swap3A_20], %broadcast_in_dim3A_17 {strides = array<i32>} : memref<232x116x96xf32, #tpu.memory_space<vmem>>, vector<3x116x96xf32>,
      %broadcast_in_dim3A_22 = arith.constant 0.000000e+00 : f32
      %broadcast_in_dim3A_23 = vector.broadcast %broadcast_in_dim3A_22 : f32 to vector<5x116x96xf32>
      %swap3A_24 = arith.constant 227 : index
      %swap3A_25 = arith.constant 0 : index
      %swap3A_26 = arith.constant 0 : index
      %swap3A_27 = vector.load %arg9[%swap3A_24, %swap3A_25, %swap3A_26] : memref<232x116x96xf32, #tpu.memory_space<vmem>>, vector<5x116x96xf32>
      tpu.vector_store %arg9[%swap3A_24, %swap3A_25, %swap3A_26], %broadcast_in_dim3A_23 {strides = array<i32>} : memref<232x116x96xf32, #tpu.memory_space<vmem>>, vector<5x116x96xf32>,
      %broadcast_in_dim3A_28 = arith.constant 0.000000e+00 : f32
      %broadcast_in_dim3A_29 = vector.broadcast %broadcast_in_dim3A_28 : f32 to vector<232x2x96xf32>
      %swap3A_30 = arith.constant 0 : index
      %swap3A_31 = arith.constant 0 : index
      %swap3A_32 = arith.constant 0 : index
      %swap3A_33 = vector.load %arg9[%swap3A_30, %swap3A_31, %swap3A_32] : memref<232x116x96xf32, #tpu.memory_space<vmem>>, vector<232x2x96xf32>
      tpu.vector_store %arg9[%swap3A_30, %swap3A_31, %swap3A_32], %broadcast_in_dim3A_29 {strides = array<i32>} : memref<232x116x96xf32, #tpu.memory_space<vmem>>, vector<232x2x96xf32>,
      %broadcast_in_dim3A_34 = arith.constant 0.000000e+00 : f32
      %broadcast_in_dim3A_35 = vector.broadcast %broadcast_in_dim3A_34 : f32 to vector<232x2x96xf32>
      %swap3A_36 = arith.constant 0 : index
      %swap3A_37 = arith.constant 114 : index
      %swap3A_38 = arith.constant 0 : index
      %swap3A_39 = vector.load %arg9[%swap3A_36, %swap3A_37, %swap3A_38] : memref<232x116x96xf32, #tpu.memory_space<vmem>>, vector<232x2x96xf32>
      tpu.vector_store %arg9[%swap3A_36, %swap3A_37, %swap3A_38], %broadcast_in_dim3A_35 {strides = array<i32>} : memref<232x116x96xf32, #tpu.memory_space<vmem>>, vector<232x2x96xf32>,
    } else {
    }
    %get3A = arith.constant 0 : index
    %get3A_2 = arith.constant 0 : index
    %get3A_3 = arith.constant 0 : index
    %get3A_4 = arith.constant 0 : index
    %get3A_5 = vector.load %arg2[%get3A, %get3A_2, %get3A_3, %get3A_4] : memref<1x96x32x112xf32, #tpu.memory_space<vmem>>, vector<1x96x32x112xf32>
    %get3A_6 = vector.shape_cast %get3A_5 : vector<1x96x32x112xf32> to vector<96x32x112xf32>
    %transpose3A = tpu.transpose %get3A_6, [1, 2, 0] : vector<96x32x112xf32> -> vector<32x112x96xf32>
    %mul3A = arith.constant 32 : i32
    %mul3A_7 = arith.muli %mul3A, %arg1 : i32
    %add3A = arith.constant 3 : i32
    %add3A_8 = arith.addi %add3A, %mul3A_7 : i32
    %swap3A = arith.index_cast %add3A_8 : i32 to index
    %swap3A_9 = arith.constant 2 : index
    %swap3A_10 = arith.constant 0 : index
    %swap3A_11 = vector.load %arg9[%swap3A, %swap3A_9, %swap3A_10] : memref<232x116x96xf32, #tpu.memory_space<vmem>>, vector<32x112x96xf32>
    tpu.vector_store %arg9[%swap3A, %swap3A_9, %swap3A_10], %transpose3A {strides = array<i32>} : memref<232x116x96xf32, #tpu.memory_space<vmem>>, vector<32x112x96xf32>,
    %eq3A_12 = arith.constant 6 : i32
    %eq3A_13 = arith.cmpi eq, %arg1, %eq3A_12 : i32
    %convert_element_type3A_14 = arith.extui %eq3A_13 : i1 to i32
    %cond3A_15 = arith.constant 0 : i32
    %cond3A_16 = arith.cmpi ne, %convert_element_type3A_14, %cond3A_15 : i32
    scf.if %cond3A_16 {
      %scan3A = arith.constant 0 : i32
      %scan3A_17 = arith.constant 8 : i32
      %scan3A_18 = arith.addi %scan3A, %scan3A_17 : i32
      %scan3A_19 = arith.constant 1 : i32
      scf.for %scan3A_128 = %scan3A to %scan3A_18 step %scan3A_19  : i32 {
        %broadcast_in_dim3A_129 = arith.constant 0.000000e+00 : f32
        %broadcast_in_dim3A_130 = vector.broadcast %broadcast_in_dim3A_129 : f32 to vector<15x112x32xf32>
        %scan3A_131 = arith.constant 0 : i32
        %scan3A_132 = arith.constant 2 : i32
        %scan3A_133 = arith.addi %scan3A_131, %scan3A_132 : i32
        %scan3A_134 = arith.constant 1 : i32
        %scan3A_135 = scf.for %scan3A_179 = %scan3A_131 to %scan3A_133 step %scan3A_134 iter_args(%scan3A_180 = %broadcast_in_dim3A_130) -> (vector<15x112x32xf32>)  : i32 {
          %mul3A_181 = arith.constant 28 : i32
          %mul3A_182 = arith.muli %mul3A_181, %scan3A_128 : i32
          %add3A_183 = arith.addi %mul3A_182, %scan3A_179 : i32
          %get3A_184 = arith.index_cast %add3A_183 : i32 to index
          %get3A_185 = arith.constant 0 : index
          %get3A_186 = arith.constant 0 : index
          %get3A_187 = tpu.strided_load %arg9[%get3A_184, %get3A_185, %get3A_186] {strides = array<i32: 2, 1, 1>} : memref<232x116x96xf32, #tpu.memory_space<vmem>>, vector<18x116x96xf32>
          %bitcast_convert_type3A = tpu.bitcast %get3A_187 : vector<18x116x96xf32> -> vector<18x116x96xi32>
          %shift_left3A = arith.constant 16 : i32
          %shift_left3A_188 = vector.broadcast %shift_left3A : i32 to vector<18x116x96xi32>
          %shift_left3A_189 = arith.shli %bitcast_convert_type3A, %shift_left3A_188 : vector<18x116x96xi32>
          %bitcast_convert_type3A_190 = tpu.bitcast %shift_left3A_189 : vector<18x116x96xi32> -> vector<18x116x96xf32>
          %and3A = arith.constant -65536 : i32
          %and3A_191 = vector.broadcast %and3A : i32 to vector<18x116x96xi32>
          %and3A_192 = arith.andi %bitcast_convert_type3A, %and3A_191 : vector<18x116x96xi32>
          %bitcast_convert_type3A_193 = tpu.bitcast %and3A_192 : vector<18x116x96xi32> -> vector<18x116x96xf32>
          %concatenate3A_194 = tpu.concatenate %bitcast_convert_type3A_190, %bitcast_convert_type3A_193 in 2 : vector<18x116x96xf32>, vector<18x116x96xf32> -> vector<18x116x192xf32>
          %reshape3A_195 = vector.shape_cast %concatenate3A_194 : vector<18x116x192xf32> to vector<2088x192xf32>
          %get3A_196 = arith.index_cast %scan3A_179 : i32 to index
          %get3A_197 = arith.constant 0 : index
          %get3A_198 = arith.constant 0 : index
          %get3A_199 = vector.load %arg3[%get3A_196, %get3A_197, %get3A_198] : memref<2x192x512xf32, #tpu.memory_space<vmem>>, vector<1x192x512xf32>
          %reshape3A_200 = vector.shape_cast %get3A_199 : vector<1x192x512xf32> to vector<192x512xf32>
          %dot_general3A = arith.constant dense<0.000000e+00> : vector<2088x512xf32>
          %dot_general3A_201 = tpu.matmul %reshape3A_195, %reshape3A_200, %dot_general3A {dimension_numbers = #tpu.dot_dimension_numbers<[1], [0], [0], [1], [0, 0, 1, 1], [], []>, transpose_lhs_hint = false} : vector<2088x192xf32>, vector<192x512xf32>, vector<2088x512xf32> -> vector<2088x512xf32>
          %reshape3A_202 = vector.shape_cast %dot_general3A_201 : vector<2088x512xf32> to vector<18x116x512xf32>
          %slice3A_203 = vector.extract_strided_slice %reshape3A_202 {offsets = [0, 0, 0], sizes = [15, 112, 32], strides = [1, 1, 1]} : vector<18x116x512xf32> to vector<15x112x32xf32>
          %add3A_204 = arith.addf %scan3A_180, %slice3A_203 : vector<15x112x32xf32>
          %slice3A_205 = vector.extract_strided_slice %reshape3A_202 {offsets = [0, 1, 32], sizes = [15, 112, 32], strides = [1, 1, 1]} : vector<18x116x512xf32> to vector<15x112x32xf32>
          %add3A_206 = arith.addf %add3A_204, %slice3A_205 : vector<15x112x32xf32>
          %slice3A_207 = vector.extract_strided_slice %reshape3A_202 {offsets = [0, 2, 64], sizes = [15, 112, 32], strides = [1, 1, 1]} : vector<18x116x512xf32> to vector<15x112x32xf32>
          %add3A_208 = arith.addf %add3A_206, %slice3A_207 : vector<15x112x32xf32>
          %slice3A_209 = vector.extract_strided_slice %reshape3A_202 {offsets = [0, 3, 96], sizes = [15, 112, 32], strides = [1, 1, 1]} : vector<18x116x512xf32> to vector<15x112x32xf32>
          %add3A_210 = arith.addf %add3A_208, %slice3A_209 : vector<15x112x32xf32>
          %slice3A_211 = vector.extract_strided_slice %reshape3A_202 {offsets = [1, 0, 128], sizes = [15, 112, 32], strides = [1, 1, 1]} : vector<18x116x512xf32> to vector<15x112x32xf32>
          %add3A_212 = arith.addf %add3A_210, %slice3A_211 : vector<15x112x32xf32>
          %slice3A_213 = vector.extract_strided_slice %reshape3A_202 {offsets = [1, 1, 160], sizes = [15, 112, 32], strides = [1, 1, 1]} : vector<18x116x512xf32> to vector<15x112x32xf32>
          %add3A_214 = arith.addf %add3A_212, %slice3A_213 : vector<15x112x32xf32>
          %slice3A_215 = vector.extract_strided_slice %reshape3A_202 {offsets = [1, 2, 192], sizes = [15, 112, 32], strides = [1, 1, 1]} : vector<18x116x512xf32> to vector<15x112x32xf32>
          %add3A_216 = arith.addf %add3A_214, %slice3A_215 : vector<15x112x32xf32>
          %slice3A_217 = vector.extract_strided_slice %reshape3A_202 {offsets = [1, 3, 224], sizes = [15, 112, 32], strides = [1, 1, 1]} : vector<18x116x512xf32> to vector<15x112x32xf32>
          %add3A_218 = arith.addf %add3A_216, %slice3A_217 : vector<15x112x32xf32>
          %slice3A_219 = vector.extract_strided_slice %reshape3A_202 {offsets = [2, 0, 256], sizes = [15, 112, 32], strides = [1, 1, 1]} : vector<18x116x512xf32> to vector<15x112x32xf32>
          %add3A_220 = arith.addf %add3A_218, %slice3A_219 : vector<15x112x32xf32>
          %slice3A_221 = vector.extract_strided_slice %reshape3A_202 {offsets = [2, 1, 288], sizes = [15, 112, 32], strides = [1, 1, 1]} : vector<18x116x512xf32> to vector<15x112x32xf32>
          %add3A_222 = arith.addf %add3A_220, %slice3A_221 : vector<15x112x32xf32>
          %slice3A_223 = vector.extract_strided_slice %reshape3A_202 {offsets = [2, 2, 320], sizes = [15, 112, 32], strides = [1, 1, 1]} : vector<18x116x512xf32> to vector<15x112x32xf32>
          %add3A_224 = arith.addf %add3A_222, %slice3A_223 : vector<15x112x32xf32>
          %slice3A_225 = vector.extract_strided_slice %reshape3A_202 {offsets = [2, 3, 352], sizes = [15, 112, 32], strides = [1, 1, 1]} : vector<18x116x512xf32> to vector<15x112x32xf32>
          %add3A_226 = arith.addf %add3A_224, %slice3A_225 : vector<15x112x32xf32>
          %slice3A_227 = vector.extract_strided_slice %reshape3A_202 {offsets = [3, 0, 384], sizes = [15, 112, 32], strides = [1, 1, 1]} : vector<18x116x512xf32> to vector<15x112x32xf32>
          %add3A_228 = arith.addf %add3A_226, %slice3A_227 : vector<15x112x32xf32>
          %slice3A_229 = vector.extract_strided_slice %reshape3A_202 {offsets = [3, 1, 416], sizes = [15, 112, 32], strides = [1, 1, 1]} : vector<18x116x512xf32> to vector<15x112x32xf32>
          %add3A_230 = arith.addf %add3A_228, %slice3A_229 : vector<15x112x32xf32>
          %slice3A_231 = vector.extract_strided_slice %reshape3A_202 {offsets = [3, 2, 448], sizes = [15, 112, 32], strides = [1, 1, 1]} : vector<18x116x512xf32> to vector<15x112x32xf32>
          %add3A_232 = arith.addf %add3A_230, %slice3A_231 : vector<15x112x32xf32>
          %slice3A_233 = vector.extract_strided_slice %reshape3A_202 {offsets = [3, 3, 480], sizes = [15, 112, 32], strides = [1, 1, 1]} : vector<18x116x512xf32> to vector<15x112x32xf32>
          %add3A_234 = arith.addf %add3A_232, %slice3A_233 : vector<15x112x32xf32>
          scf.yield %add3A_234 : vector<15x112x32xf32>
        }
        %scan3A_136 = arith.constant 2 : i32
        %get3A_137 = arith.constant 0 : index
        %get3A_138 = arith.constant 0 : index
        %get3A_139 = arith.constant 0 : index
        %get3A_140 = vector.load %arg4[%get3A_137, %get3A_138, %get3A_139] : memref<1x1x32xf32, #tpu.memory_space<vmem>>, vector<1x1x32xf32>
        %add3A_141 = vector.broadcast %get3A_140 : vector<1x1x32xf32> to vector<15x112x32xf32>
        %add3A_142 = arith.addf %scan3A_135, %add3A_141 : vector<15x112x32xf32>
        %max3A_143 = arith.constant 0.000000e+00 : f32
        %max3A_144 = vector.broadcast %max3A_143 : f32 to vector<15x112x32xf32>
        %max3A_145 = arith.maximumf %add3A_142, %max3A_144 : vector<15x112x32xf32>
        %swap3A_146 = arith.constant 0 : index
        %swap3A_147 = arith.constant 0 : index
        %swap3A_148 = arith.constant 0 : index
        %swap3A_149 = vector.load %arg10[%swap3A_146, %swap3A_147, %swap3A_148] : memref<16x112x32xf32, #tpu.memory_space<vmem>>, vector<15x112x32xf32>
        tpu.vector_store %arg10[%swap3A_146, %swap3A_147, %swap3A_148], %max3A_145 {strides = array<i32>} : memref<16x112x32xf32, #tpu.memory_space<vmem>>, vector<15x112x32xf32>,
        %get3A_150 = arith.constant 0 : index
        %get3A_151 = arith.constant 0 : index
        %get3A_152 = arith.constant 0 : index
        %get3A_153 = tpu.strided_load %arg10[%get3A_150, %get3A_151, %get3A_152] {strides = array<i32: 1, 2, 1>} : memref<16x112x32xf32, #tpu.memory_space<vmem>>, vector<15x56x32xf32>
        %get3A_154 = arith.constant 0 : index
        %get3A_155 = arith.constant 1 : index
        %get3A_156 = arith.constant 0 : index
        %get3A_157 = tpu.strided_load %arg10[%get3A_154, %get3A_155, %get3A_156] {strides = array<i32: 1, 2, 1>} : memref<16x112x32xf32, #tpu.memory_space<vmem>>, vector<15x56x32xf32>
        %slice3A = vector.extract_strided_slice %get3A_153 {offsets = [0, 0, 0], sizes = [15, 55, 32], strides = [1, 1, 1]} : vector<15x56x32xf32> to vector<15x55x32xf32>
        %slice3A_158 = vector.extract_strided_slice %get3A_157 {offsets = [0, 0, 0], sizes = [15, 55, 32], strides = [1, 1, 1]} : vector<15x56x32xf32> to vector<15x55x32xf32>
        %max3A_159 = arith.maximumf %slice3A, %slice3A_158 : vector<15x55x32xf32>
        %slice3A_160 = vector.extract_strided_slice %get3A_153 {offsets = [0, 1, 0], sizes = [15, 55, 32], strides = [1, 1, 1]} : vector<15x56x32xf32> to vector<15x55x32xf32>
        %max3A_161 = arith.maximumf %max3A_159, %slice3A_160 : vector<15x55x32xf32>
        %slice3A_162 = vector.extract_strided_slice %max3A_161 {offsets = [0, 0, 0], sizes = [14, 55, 32], strides = [1, 1, 1]} : vector<15x55x32xf32> to vector<14x55x32xf32>
        %reshape3A_163 = vector.shape_cast %slice3A_162 : vector<14x55x32xf32> to vector<7x2x55x32xf32>
        %slice3A_164 = vector.extract_strided_slice %reshape3A_163 {offsets = [0, 0, 0, 0], sizes = [7, 1, 55, 32], strides = [1, 1, 1, 1]} : vector<7x2x55x32xf32> to vector<7x1x55x32xf32>
        %squeeze3A = vector.shape_cast %slice3A_164 : vector<7x1x55x32xf32> to vector<7x55x32xf32>
        %slice3A_165 = vector.extract_strided_slice %reshape3A_163 {offsets = [0, 1, 0, 0], sizes = [7, 1, 55, 32], strides = [1, 1, 1, 1]} : vector<7x2x55x32xf32> to vector<7x1x55x32xf32>
        %squeeze3A_166 = vector.shape_cast %slice3A_165 : vector<7x1x55x32xf32> to vector<7x55x32xf32>
        %slice3A_167 = vector.extract_strided_slice %squeeze3A {offsets = [1, 0, 0], sizes = [6, 55, 32], strides = [1, 1, 1]} : vector<7x55x32xf32> to vector<6x55x32xf32>
        %slice3A_168 = vector.extract_strided_slice %max3A_161 {offsets = [14, 0, 0], sizes = [1, 55, 32], strides = [1, 1, 1]} : vector<15x55x32xf32> to vector<1x55x32xf32>
        %concatenate3A = tpu.concatenate %slice3A_167, %slice3A_168 in 0 : vector<6x55x32xf32>, vector<1x55x32xf32> -> vector<7x55x32xf32>
        %max3A_169 = arith.maximumf %squeeze3A, %squeeze3A_166 : vector<7x55x32xf32>
        %max3A_170 = arith.maximumf %max3A_169, %concatenate3A : vector<7x55x32xf32>
        %mul3A_171 = arith.constant 7 : i32
        %mul3A_172 = arith.muli %mul3A_171, %scan3A_128 : i32
        %add3A_173 = arith.constant 2 : i32
        %add3A_174 = arith.addi %add3A_173, %mul3A_172 : i32
        %swap3A_175 = arith.index_cast %add3A_174 : i32 to index
        %swap3A_176 = arith.constant 2 : index
        %swap3A_177 = arith.constant 0 : index
        %swap3A_178 = vector.load %arg11[%swap3A_175, %swap3A_176, %swap3A_177] : memref<60x60x32xf32, #tpu.memory_space<vmem>>, vector<7x55x32xf32>
        tpu.vector_store %arg11[%swap3A_175, %swap3A_176, %swap3A_177], %max3A_170 {strides = array<i32>} : memref<60x60x32xf32, #tpu.memory_space<vmem>>, vector<7x55x32xf32>,
      }
      %scan3A_20 = arith.constant 8 : i32
      %broadcast_in_dim3A = arith.constant 0.000000e+00 : f32
      %broadcast_in_dim3A_21 = vector.broadcast %broadcast_in_dim3A : f32 to vector<2x60x32xf32>
      %swap3A_22 = arith.constant 0 : index
      %swap3A_23 = arith.constant 0 : index
      %swap3A_24 = arith.constant 0 : index
      %swap3A_25 = vector.load %arg11[%swap3A_22, %swap3A_23, %swap3A_24] : memref<60x60x32xf32, #tpu.memory_space<vmem>>, vector<2x60x32xf32>
      tpu.vector_store %arg11[%swap3A_22, %swap3A_23, %swap3A_24], %broadcast_in_dim3A_21 {strides = array<i32>} : memref<60x60x32xf32, #tpu.memory_space<vmem>>, vector<2x60x32xf32>,
      %broadcast_in_dim3A_26 = arith.constant 0.000000e+00 : f32
      %broadcast_in_dim3A_27 = vector.broadcast %broadcast_in_dim3A_26 : f32 to vector<3x60x32xf32>
      %swap3A_28 = arith.constant 57 : index
      %swap3A_29 = arith.constant 0 : index
      %swap3A_30 = arith.constant 0 : index
      %swap3A_31 = vector.load %arg11[%swap3A_28, %swap3A_29, %swap3A_30] : memref<60x60x32xf32, #tpu.memory_space<vmem>>, vector<3x60x32xf32>
      tpu.vector_store %arg11[%swap3A_28, %swap3A_29, %swap3A_30], %broadcast_in_dim3A_27 {strides = array<i32>} : memref<60x60x32xf32, #tpu.memory_space<vmem>>, vector<3x60x32xf32>,
      %broadcast_in_dim3A_32 = arith.constant 0.000000e+00 : f32
      %broadcast_in_dim3A_33 = vector.broadcast %broadcast_in_dim3A_32 : f32 to vector<60x2x32xf32>
      %swap3A_34 = arith.constant 0 : index
      %swap3A_35 = arith.constant 0 : index
      %swap3A_36 = arith.constant 0 : index
      %swap3A_37 = vector.load %arg11[%swap3A_34, %swap3A_35, %swap3A_36] : memref<60x60x32xf32, #tpu.memory_space<vmem>>, vector<60x2x32xf32>
      tpu.vector_store %arg11[%swap3A_34, %swap3A_35, %swap3A_36], %broadcast_in_dim3A_33 {strides = array<i32>} : memref<60x60x32xf32, #tpu.memory_space<vmem>>, vector<60x2x32xf32>,
      %broadcast_in_dim3A_38 = arith.constant 0.000000e+00 : f32
      %broadcast_in_dim3A_39 = vector.broadcast %broadcast_in_dim3A_38 : f32 to vector<60x3x32xf32>
      %swap3A_40 = arith.constant 0 : index
      %swap3A_41 = arith.constant 57 : index
      %swap3A_42 = arith.constant 0 : index
      %swap3A_43 = vector.load %arg11[%swap3A_40, %swap3A_41, %swap3A_42] : memref<60x60x32xf32, #tpu.memory_space<vmem>>, vector<60x3x32xf32>
      tpu.vector_store %arg11[%swap3A_40, %swap3A_41, %swap3A_42], %broadcast_in_dim3A_39 {strides = array<i32>} : memref<60x60x32xf32, #tpu.memory_space<vmem>>, vector<60x3x32xf32>,
      %get3A_44 = arith.constant 0 : index
      %get3A_45 = arith.constant 0 : index
      %get3A_46 = arith.constant 0 : index
      %get3A_47 = tpu.strided_load %arg11[%get3A_44, %get3A_45, %get3A_46] {strides = array<i32: 1, 2, 1>} : memref<60x60x32xf32, #tpu.memory_space<vmem>>, vector<60x30x32xf32>
      %reshape3A = vector.shape_cast %get3A_47 : vector<60x30x32xf32> to vector<1800x32xf32>
      %get3A_48 = arith.constant 0 : index
      %get3A_49 = arith.constant 1 : index
      %get3A_50 = arith.constant 0 : index
      %get3A_51 = tpu.strided_load %arg11[%get3A_48, %get3A_49, %get3A_50] {strides = array<i32: 1, 2, 1>} : memref<60x60x32xf32, #tpu.memory_space<vmem>>, vector<60x30x32xf32>
      %reshape3A_52 = vector.shape_cast %get3A_51 : vector<60x30x32xf32> to vector<1800x32xf32>
      %broadcast_in_dim3A_53 = arith.constant 0.000000e+00 : f32
      %broadcast_in_dim3A_54 = vector.broadcast %broadcast_in_dim3A_53 : f32 to vector<28x28x64xf32>
      %scan3A_55 = arith.constant 0 : i32
      %scan3A_56 = arith.constant 5 : i32
      %scan3A_57 = arith.addi %scan3A_55, %scan3A_56 : i32
      %scan3A_58 = arith.constant 1 : i32
      %scan3A_59 = scf.for %scan3A_128 = %scan3A_55 to %scan3A_57 step %scan3A_58 iter_args(%scan3A_129 = %broadcast_in_dim3A_54) -> (vector<28x28x64xf32>)  : i32 {
        %get3A_130 = arith.index_cast %scan3A_128 : i32 to index
        %get3A_131 = arith.constant 0 : index
        %get3A_132 = arith.constant 0 : index
        %get3A_133 = vector.load %arg5[%get3A_130, %get3A_131, %get3A_132] : memref<5x32x192xf32, #tpu.memory_space<vmem>>, vector<1x32x192xf32>
        %get3A_134 = vector.shape_cast %get3A_133 : vector<1x32x192xf32> to vector<32x192xf32>
        %dot_general3A = arith.constant dense<0.000000e+00> : vector<1800x192xf32>
        %dot_general3A_135 = tpu.matmul %reshape3A, %get3A_134, %dot_general3A {dimension_numbers = #tpu.dot_dimension_numbers<[1], [0], [0], [1], [0, 0, 1, 1], [], []>, transpose_lhs_hint = false} : vector<1800x32xf32>, vector<32x192xf32>, vector<1800x192xf32> -> vector<1800x192xf32>
        %reshape3A_136 = vector.shape_cast %dot_general3A_135 : vector<1800x192xf32> to vector<60x30x192xf32>
        %slice3A = vector.extract_strided_slice %reshape3A_136 {offsets = [0, 0, 0], sizes = [60, 30, 64], strides = [1, 1, 1]} : vector<60x30x192xf32> to vector<60x30x64xf32>
        %swap3A_137 = arith.constant 0 : index
        %swap3A_138 = arith.constant 0 : index
        %swap3A_139 = arith.constant 0 : index
        %swap3A_140 = arith.constant 0 : index
        %swap3A_141 = vector.load %arg13[%swap3A_137, %swap3A_138, %swap3A_139, %swap3A_140] : memref<3x60x30x64xf32, #tpu.memory_space<vmem>>, vector<1x60x30x64xf32>
        %swap3A_142 = vector.shape_cast %swap3A_141 : vector<1x60x30x64xf32> to vector<60x30x64xf32>
        %swap3A_143 = vector.shape_cast %slice3A : vector<60x30x64xf32> to vector<1x60x30x64xf32>
        tpu.vector_store %arg13[%swap3A_137, %swap3A_138, %swap3A_139, %swap3A_140], %swap3A_143 {strides = array<i32>} : memref<3x60x30x64xf32, #tpu.memory_space<vmem>>, vector<1x60x30x64xf32>,
        %slice3A_144 = vector.extract_strided_slice %reshape3A_136 {offsets = [0, 0, 64], sizes = [60, 30, 64], strides = [1, 1, 1]} : vector<60x30x192xf32> to vector<60x30x64xf32>
        %swap3A_145 = arith.constant 1 : index
        %swap3A_146 = arith.constant 0 : index
        %swap3A_147 = arith.constant 0 : index
        %swap3A_148 = arith.constant 0 : index
        %swap3A_149 = vector.load %arg13[%swap3A_145, %swap3A_146, %swap3A_147, %swap3A_148] : memref<3x60x30x64xf32, #tpu.memory_space<vmem>>, vector<1x60x30x64xf32>
        %swap3A_150 = vector.shape_cast %swap3A_149 : vector<1x60x30x64xf32> to vector<60x30x64xf32>
        %swap3A_151 = vector.shape_cast %slice3A_144 : vector<60x30x64xf32> to vector<1x60x30x64xf32>
        tpu.vector_store %arg13[%swap3A_145, %swap3A_146, %swap3A_147, %swap3A_148], %swap3A_151 {strides = array<i32>} : memref<3x60x30x64xf32, #tpu.memory_space<vmem>>, vector<1x60x30x64xf32>,
        %slice3A_152 = vector.extract_strided_slice %reshape3A_136 {offsets = [0, 0, 128], sizes = [60, 30, 64], strides = [1, 1, 1]} : vector<60x30x192xf32> to vector<60x30x64xf32>
        %swap3A_153 = arith.constant 2 : index
        %swap3A_154 = arith.constant 0 : index
        %swap3A_155 = arith.constant 0 : index
        %swap3A_156 = arith.constant 0 : index
        %swap3A_157 = vector.load %arg13[%swap3A_153, %swap3A_154, %swap3A_155, %swap3A_156] : memref<3x60x30x64xf32, #tpu.memory_space<vmem>>, vector<1x60x30x64xf32>
        %swap3A_158 = vector.shape_cast %swap3A_157 : vector<1x60x30x64xf32> to vector<60x30x64xf32>
        %swap3A_159 = vector.shape_cast %slice3A_152 : vector<60x30x64xf32> to vector<1x60x30x64xf32>
        tpu.vector_store %arg13[%swap3A_153, %swap3A_154, %swap3A_155, %swap3A_156], %swap3A_159 {strides = array<i32>} : memref<3x60x30x64xf32, #tpu.memory_space<vmem>>, vector<1x60x30x64xf32>,
        %get3A_160 = arith.constant 0 : index
        %get3A_161 = arith.index_cast %scan3A_128 : i32 to index
        %get3A_162 = arith.constant 0 : index
        %get3A_163 = arith.constant 0 : index
        %get3A_164 = tpu.strided_load %arg13[%get3A_160, %get3A_161, %get3A_162, %get3A_163] {strides = array<i32: 1, 2, 1, 1>} : memref<3x60x30x64xf32, #tpu.memory_space<vmem>>, vector<1x28x30x64xf32>
        %reshape3A_165 = vector.shape_cast %get3A_164 : vector<1x28x30x64xf32> to vector<28x30x64xf32>
        %slice3A_166 = vector.extract_strided_slice %reshape3A_165 {offsets = [0, 0, 0], sizes = [28, 28, 64], strides = [1, 1, 1]} : vector<28x30x64xf32> to vector<28x28x64xf32>
        %add3A_167 = arith.addf %scan3A_129, %slice3A_166 : vector<28x28x64xf32>
        %get3A_168 = arith.constant 1 : index
        %get3A_169 = arith.index_cast %scan3A_128 : i32 to index
        %get3A_170 = arith.constant 0 : index
        %get3A_171 = arith.constant 0 : index
        %get3A_172 = tpu.strided_load %arg13[%get3A_168, %get3A_169, %get3A_170, %get3A_171] {strides = array<i32: 1, 2, 1, 1>} : memref<3x60x30x64xf32, #tpu.memory_space<vmem>>, vector<1x28x30x64xf32>
        %reshape3A_173 = vector.shape_cast %get3A_172 : vector<1x28x30x64xf32> to vector<28x30x64xf32>
        %slice3A_174 = vector.extract_strided_slice %reshape3A_173 {offsets = [0, 1, 0], sizes = [28, 28, 64], strides = [1, 1, 1]} : vector<28x30x64xf32> to vector<28x28x64xf32>
        %add3A_175 = arith.addf %add3A_167, %slice3A_174 : vector<28x28x64xf32>
        %get3A_176 = arith.constant 2 : index
        %get3A_177 = arith.index_cast %scan3A_128 : i32 to index
        %get3A_178 = arith.constant 0 : index
        %get3A_179 = arith.constant 0 : index
        %get3A_180 = tpu.strided_load %arg13[%get3A_176, %get3A_177, %get3A_178, %get3A_179] {strides = array<i32: 1, 2, 1, 1>} : memref<3x60x30x64xf32, #tpu.memory_space<vmem>>, vector<1x28x30x64xf32>
        %reshape3A_181 = vector.shape_cast %get3A_180 : vector<1x28x30x64xf32> to vector<28x30x64xf32>
        %slice3A_182 = vector.extract_strided_slice %reshape3A_181 {offsets = [0, 2, 0], sizes = [28, 28, 64], strides = [1, 1, 1]} : vector<28x30x64xf32> to vector<28x28x64xf32>
        %add3A_183 = arith.addf %add3A_175, %slice3A_182 : vector<28x28x64xf32>
        scf.yield %add3A_183 : vector<28x28x64xf32>
      }
      %scan3A_60 = arith.constant 5 : i32
      %scan3A_61 = arith.constant 0 : i32
      %scan3A_62 = arith.constant 5 : i32
      %scan3A_63 = arith.addi %scan3A_61, %scan3A_62 : i32
      %scan3A_64 = arith.constant 1 : i32
      %scan3A_65 = scf.for %scan3A_128 = %scan3A_61 to %scan3A_63 step %scan3A_64 iter_args(%scan3A_129 = %scan3A_59) -> (vector<28x28x64xf32>)  : i32 {
        %get3A_130 = arith.index_cast %scan3A_128 : i32 to index
        %get3A_131 = arith.constant 0 : index
        %get3A_132 = arith.constant 0 : index
        %get3A_133 = vector.load %arg6[%get3A_130, %get3A_131, %get3A_132] : memref<5x32x128xf32, #tpu.memory_space<vmem>>, vector<1x32x128xf32>
        %get3A_134 = vector.shape_cast %get3A_133 : vector<1x32x128xf32> to vector<32x128xf32>
        %dot_general3A = arith.constant dense<0.000000e+00> : vector<1800x128xf32>
        %dot_general3A_135 = tpu.matmul %reshape3A_52, %get3A_134, %dot_general3A {dimension_numbers = #tpu.dot_dimension_numbers<[1], [0], [0], [1], [0, 0, 1, 1], [], []>, transpose_lhs_hint = false} : vector<1800x32xf32>, vector<32x128xf32>, vector<1800x128xf32> -> vector<1800x128xf32>
        %reshape3A_136 = vector.shape_cast %dot_general3A_135 : vector<1800x128xf32> to vector<60x30x128xf32>
        %slice3A = vector.extract_strided_slice %reshape3A_136 {offsets = [0, 0, 0], sizes = [60, 30, 64], strides = [1, 1, 1]} : vector<60x30x128xf32> to vector<60x30x64xf32>
        %swap3A_137 = arith.constant 0 : index
        %swap3A_138 = arith.constant 0 : index
        %swap3A_139 = arith.constant 0 : index
        %swap3A_140 = arith.constant 0 : index
        %swap3A_141 = vector.load %arg13[%swap3A_137, %swap3A_138, %swap3A_139, %swap3A_140] : memref<3x60x30x64xf32, #tpu.memory_space<vmem>>, vector<1x60x30x64xf32>
        %swap3A_142 = vector.shape_cast %swap3A_141 : vector<1x60x30x64xf32> to vector<60x30x64xf32>
        %swap3A_143 = vector.shape_cast %slice3A : vector<60x30x64xf32> to vector<1x60x30x64xf32>
        tpu.vector_store %arg13[%swap3A_137, %swap3A_138, %swap3A_139, %swap3A_140], %swap3A_143 {strides = array<i32>} : memref<3x60x30x64xf32, #tpu.memory_space<vmem>>, vector<1x60x30x64xf32>,
        %slice3A_144 = vector.extract_strided_slice %reshape3A_136 {offsets = [0, 0, 64], sizes = [60, 30, 64], strides = [1, 1, 1]} : vector<60x30x128xf32> to vector<60x30x64xf32>
        %swap3A_145 = arith.constant 1 : index
        %swap3A_146 = arith.constant 0 : index
        %swap3A_147 = arith.constant 0 : index
        %swap3A_148 = arith.constant 0 : index
        %swap3A_149 = vector.load %arg13[%swap3A_145, %swap3A_146, %swap3A_147, %swap3A_148] : memref<3x60x30x64xf32, #tpu.memory_space<vmem>>, vector<1x60x30x64xf32>
        %swap3A_150 = vector.shape_cast %swap3A_149 : vector<1x60x30x64xf32> to vector<60x30x64xf32>
        %swap3A_151 = vector.shape_cast %slice3A_144 : vector<60x30x64xf32> to vector<1x60x30x64xf32>
        tpu.vector_store %arg13[%swap3A_145, %swap3A_146, %swap3A_147, %swap3A_148], %swap3A_151 {strides = array<i32>} : memref<3x60x30x64xf32, #tpu.memory_space<vmem>>, vector<1x60x30x64xf32>,
        %get3A_152 = arith.constant 0 : index
        %get3A_153 = arith.index_cast %scan3A_128 : i32 to index
        %get3A_154 = arith.constant 0 : index
        %get3A_155 = arith.constant 0 : index
        %get3A_156 = tpu.strided_load %arg13[%get3A_152, %get3A_153, %get3A_154, %get3A_155] {strides = array<i32: 1, 2, 1, 1>} : memref<3x60x30x64xf32, #tpu.memory_space<vmem>>, vector<1x28x30x64xf32>
        %reshape3A_157 = vector.shape_cast %get3A_156 : vector<1x28x30x64xf32> to vector<28x30x64xf32>
        %slice3A_158 = vector.extract_strided_slice %reshape3A_157 {offsets = [0, 0, 0], sizes = [28, 28, 64], strides = [1, 1, 1]} : vector<28x30x64xf32> to vector<28x28x64xf32>
        %add3A_159 = arith.addf %scan3A_129, %slice3A_158 : vector<28x28x64xf32>
        %get3A_160 = arith.constant 1 : index
        %get3A_161 = arith.index_cast %scan3A_128 : i32 to index
        %get3A_162 = arith.constant 0 : index
        %get3A_163 = arith.constant 0 : index
        %get3A_164 = tpu.strided_load %arg13[%get3A_160, %get3A_161, %get3A_162, %get3A_163] {strides = array<i32: 1, 2, 1, 1>} : memref<3x60x30x64xf32, #tpu.memory_space<vmem>>, vector<1x28x30x64xf32>
        %reshape3A_165 = vector.shape_cast %get3A_164 : vector<1x28x30x64xf32> to vector<28x30x64xf32>
        %slice3A_166 = vector.extract_strided_slice %reshape3A_165 {offsets = [0, 1, 0], sizes = [28, 28, 64], strides = [1, 1, 1]} : vector<28x30x64xf32> to vector<28x28x64xf32>
        %add3A_167 = arith.addf %add3A_159, %slice3A_166 : vector<28x28x64xf32>
        scf.yield %add3A_167 : vector<28x28x64xf32>
      }
      %scan3A_66 = arith.constant 5 : i32
      %get3A_67 = arith.constant 0 : index
      %get3A_68 = arith.constant 0 : index
      %get3A_69 = arith.constant 0 : index
      %get3A_70 = vector.load %arg7[%get3A_67, %get3A_68, %get3A_69] : memref<1x1x64xf32, #tpu.memory_space<vmem>>, vector<1x1x64xf32>
      %add3A_71 = vector.broadcast %get3A_70 : vector<1x1x64xf32> to vector<28x28x64xf32>
      %add3A_72 = arith.addf %scan3A_65, %add3A_71 : vector<28x28x64xf32>
      %max3A = arith.constant 0.000000e+00 : f32
      %max3A_73 = vector.broadcast %max3A : f32 to vector<28x28x64xf32>
      %max3A_74 = arith.maximumf %add3A_72, %max3A_73 : vector<28x28x64xf32>
      %reshape3A_75 = vector.shape_cast %max3A_74 : vector<28x28x64xf32> to vector<4x7x28x64xf32>
      %reduce_sum3A = arith.constant dense<0.000000e+00> : vector<4x28x64xf32>
      %reduce_sum3A_76 = vector.multi_reduction <add>, %reshape3A_75, %reduce_sum3A [1] : vector<4x7x28x64xf32> to vector<4x28x64xf32>
      %swap3A_77 = arith.constant 0 : index
      %swap3A_78 = arith.constant 0 : index
      %swap3A_79 = arith.constant 0 : index
      %swap3A_80 = vector.load %arg12[%swap3A_77, %swap3A_78, %swap3A_79] : memref<4x28x64xf32, #tpu.memory_space<vmem>>, vector<4x28x64xf32>
      tpu.vector_store %arg12[%swap3A_77, %swap3A_78, %swap3A_79], %reduce_sum3A_76 {strides = array<i32>} : memref<4x28x64xf32, #tpu.memory_space<vmem>>, vector<4x28x64xf32>,
      %broadcast_in_dim3A_81 = arith.constant 0.000000e+00 : f32
      %broadcast_in_dim3A_82 = vector.broadcast %broadcast_in_dim3A_81 : f32 to vector<4x4x64xf32>
      %get3A_83 = arith.constant 0 : index
      %get3A_84 = arith.constant 0 : index
      %get3A_85 = arith.constant 0 : index
      %get3A_86 = tpu.strided_load %arg12[%get3A_83, %get3A_84, %get3A_85] {strides = array<i32: 1, 7, 1>} : memref<4x28x64xf32, #tpu.memory_space<vmem>>, vector<4x4x64xf32>
      %add3A_87 = arith.addf %broadcast_in_dim3A_82, %get3A_86 : vector<4x4x64xf32>
      %get3A_88 = arith.constant 0 : index
      %get3A_89 = arith.constant 1 : index
      %get3A_90 = arith.constant 0 : index
      %get3A_91 = tpu.strided_load %arg12[%get3A_88, %get3A_89, %get3A_90] {strides = array<i32: 1, 7, 1>} : memref<4x28x64xf32, #tpu.memory_space<vmem>>, vector<4x4x64xf32>
      %add3A_92 = arith.addf %add3A_87, %get3A_91 : vector<4x4x64xf32>
      %get3A_93 = arith.constant 0 : index
      %get3A_94 = arith.constant 2 : index
      %get3A_95 = arith.constant 0 : index
      %get3A_96 = tpu.strided_load %arg12[%get3A_93, %get3A_94, %get3A_95] {strides = array<i32: 1, 7, 1>} : memref<4x28x64xf32, #tpu.memory_space<vmem>>, vector<4x4x64xf32>
      %add3A_97 = arith.addf %add3A_92, %get3A_96 : vector<4x4x64xf32>
      %get3A_98 = arith.constant 0 : index
      %get3A_99 = arith.constant 3 : index
      %get3A_100 = arith.constant 0 : index
      %get3A_101 = tpu.strided_load %arg12[%get3A_98, %get3A_99, %get3A_100] {strides = array<i32: 1, 7, 1>} : memref<4x28x64xf32, #tpu.memory_space<vmem>>, vector<4x4x64xf32>
      %add3A_102 = arith.addf %add3A_97, %get3A_101 : vector<4x4x64xf32>
      %get3A_103 = arith.constant 0 : index
      %get3A_104 = arith.constant 4 : index
      %get3A_105 = arith.constant 0 : index
      %get3A_106 = tpu.strided_load %arg12[%get3A_103, %get3A_104, %get3A_105] {strides = array<i32: 1, 7, 1>} : memref<4x28x64xf32, #tpu.memory_space<vmem>>, vector<4x4x64xf32>
      %add3A_107 = arith.addf %add3A_102, %get3A_106 : vector<4x4x64xf32>
      %get3A_108 = arith.constant 0 : index
      %get3A_109 = arith.constant 5 : index
      %get3A_110 = arith.constant 0 : index
      %get3A_111 = tpu.strided_load %arg12[%get3A_108, %get3A_109, %get3A_110] {strides = array<i32: 1, 7, 1>} : memref<4x28x64xf32, #tpu.memory_space<vmem>>, vector<4x4x64xf32>
      %add3A_112 = arith.addf %add3A_107, %get3A_111 : vector<4x4x64xf32>
      %get3A_113 = arith.constant 0 : index
      %get3A_114 = arith.constant 6 : index
      %get3A_115 = arith.constant 0 : index
      %get3A_116 = tpu.strided_load %arg12[%get3A_113, %get3A_114, %get3A_115] {strides = array<i32: 1, 7, 1>} : memref<4x28x64xf32, #tpu.memory_space<vmem>>, vector<4x4x64xf32>
      %add3A_117 = arith.addf %add3A_112, %get3A_116 : vector<4x4x64xf32>
      %mul3A_118 = arith.constant 0.0204081628 : f32
      %mul3A_119 = vector.broadcast %mul3A_118 : f32 to vector<4x4x64xf32>
      %mul3A_120 = arith.mulf %add3A_117, %mul3A_119 : vector<4x4x64xf32>
      %reshape3A_121 = vector.shape_cast %mul3A_120 : vector<4x4x64xf32> to vector<16x64xf32>
      %swap3A_122 = arith.constant 0 : index
      %swap3A_123 = arith.constant 0 : index
      %swap3A_124 = arith.constant 0 : index
      %swap3A_125 = vector.load %arg8[%swap3A_122, %swap3A_123, %swap3A_124] : memref<1x16x64xf32, #tpu.memory_space<vmem>>, vector<1x16x64xf32>
      %swap3A_126 = vector.shape_cast %swap3A_125 : vector<1x16x64xf32> to vector<16x64xf32>
      %swap3A_127 = vector.shape_cast %reshape3A_121 : vector<16x64xf32> to vector<1x16x64xf32>
      tpu.vector_store %arg8[%swap3A_122, %swap3A_123, %swap3A_124], %swap3A_127 {strides = array<i32>} : memref<1x16x64xf32, #tpu.memory_space<vmem>>, vector<1x16x64xf32>,
    } else {
    }
    return
  }
  func.func @transform_0(%arg0: i32, %arg1: i32) -> (i32, i32, i32, i32) {
    %c0_i32 = arith.constant 0 : i32
    %c0_i32_0 = arith.constant 0 : i32
    %c0_i32_1 = arith.constant 0 : i32
    return %arg0, %c0_i32, %arg1, %c0_i32_0 : i32, i32, i32, i32
  }
  func.func @transform_1(%arg0: i32, %arg1: i32) -> (i32, i32, i32) {
    %c0_i32 = arith.constant 0 : i32
    %c0_i32_0 = arith.constant 0 : i32
    %c0_i32_1 = arith.constant 0 : i32
    %c0_i32_2 = arith.constant 0 : i32
    return %c0_i32, %c0_i32_0, %c0_i32_1 : i32, i32, i32
  }
  func.func @transform_2(%arg0: i32, %arg1: i32) -> (i32, i32, i32) {
    %c0_i32 = arith.constant 0 : i32
    %c0_i32_0 = arith.constant 0 : i32
    %c0_i32_1 = arith.constant 0 : i32
    %c0_i32_2 = arith.constant 0 : i32
    return %c0_i32, %c0_i32_0, %c0_i32_1 : i32, i32, i32
  }
  func.func @transform_3(%arg0: i32, %arg1: i32) -> (i32, i32, i32) {
    %c0_i32 = arith.constant 0 : i32
    %c0_i32_0 = arith.constant 0 : i32
    %c0_i32_1 = arith.constant 0 : i32
    %c0_i32_2 = arith.constant 0 : i32
    return %c0_i32, %c0_i32_0, %c0_i32_1 : i32, i32, i32
  }
  func.func @transform_4(%arg0: i32, %arg1: i32) -> (i32, i32, i32) {
    %c0_i32 = arith.constant 0 : i32
    %c0_i32_0 = arith.constant 0 : i32
    %c0_i32_1 = arith.constant 0 : i32
    %c0_i32_2 = arith.constant 0 : i32
    return %c0_i32, %c0_i32_0, %c0_i32_1 : i32, i32, i32
  }
  func.func @transform_5(%arg0: i32, %arg1: i32) -> (i32, i32, i32) {
    %c0_i32 = arith.constant 0 : i32
    %c0_i32_0 = arith.constant 0 : i32
    %c0_i32_1 = arith.constant 0 : i32
    %c0_i32_2 = arith.constant 0 : i32
    return %c0_i32, %c0_i32_0, %c0_i32_1 : i32, i32, i32
  }
  func.func @transform_6(%arg0: i32, %arg1: i32) -> (i32, i32, i32) {
    %c0_i32 = arith.constant 0 : i32
    %c0_i32_0 = arith.constant 0 : i32
    %c0_i32_1 = arith.constant 0 : i32
    return %arg0, %c0_i32, %c0_i32_0 : i32, i32, i32
  }
}

</mosaic_0001>

<sc_bundles>
// kernel: sparse-core-data-format-call.cloned.1.call-start
scs
called_computation_lowered:
.L_overlay_start_0:
0x0: {  	s1 =	sld [smem:$0x3FD9]  }
0x1: {  	s2 =	sld [smem:$0x3FFE];
	_ =	sdelay $0x1  }
0x2: {  	s3 =	srdreg.scid  }
0x3: {  	s0 =	sand.u32 $0x1, s3  }
0x4: {  	s17 =	sshll.u32 s0, $0xA;
	s1 =	sadd.s32 s2, s1  }
0x5: {  	s1 =	sadd.s32 s1, s17  }
0x6: {  	[smem:$0x3FBC] =	sst s1  }
0x7: {  	_ = 	snop  }
0x8: {  	(tm) =	ssettm $0x1  }
0x9: {  	s18 =	sld [smem:$0x3FFB];
	_ =	sdelay $0x3  }
0xa: {  	_ =	strace s18  }
0xb: {  	s1 =	sld [smem:$0x3FFC];
	_ =	sdelay $0x3  }
0xc: {  	_ =	strace s1  }
0xd: {  	s1 =	sld [smem:$0x3FFD];
	_ =	sdelay $0x3  }
0xe: {  	_ =	strace s1  }
0xf: {  	_ =	strace $0x8FFFFFFF  }
0x10: {  	s19 =	sld [smem:$0x3FDB];
	_ =	sdelay $0x1  }
0x11: {  	s20 =	simm.s32 $_scs_section_size  }
0x12: {  	s4 =	simm.s32 $_size__tile_overlayer_lowered;
	s5 =	simm.s32 $_tile_overlayer_lowered  }
0x13: {  	s23 =	simm.s32 $0x1BFF;
	s22 =	sshll.u32 s5, $0x1;
	s1 =	sadd.s32 s20, s19  }
0x14: {  	s6 =	simm.s32 $0x0;
	s21 =	sshll.u32 s4, $0x1;
	s4 =	sadd.s32 s22, s1  }
0x15: {  	[timem:s6], [sflag:s23] =	dma.local [hbm:s4], s21  }
0x16: {  	_ =	swait.ge [sflag:s23], s21  }
0x17: {  	s2 =	ssub.s32 $0x0, s21;
	[sflag:s23] =	ssyncset.done $0x0  }
0x18: {  	[sflag:s23] =	ssyncadd.s32 s2;
	_ =	sdelay $0x1  }
0x19: {  	s24 =	simm.s32 $0x1B8B  }
0x1a: {  	_ =	swait.ge [sflag:s24], $0x1  }
0x1b: {  	[sflag:s24] =	ssyncset.done $0x0  }
0x1c: {  	s26 =	simm.s32 $0x1B8E;
	s25 =	sld [smem:$0x3FFE];
	[sflag:s24] =	ssyncadd.s32 $0xFFFFFFFF  }
0x1d: {  	s27 =	simm.s32 $execute0_lowered;
	[smem:$0x3FD2] =	sst s26  }
0x1e: {  	s4 =	sshll.u32 s27, $0x1;
	_ =	strace $0x80000046;
	[dreg:$0x1] =	wrdreg $0xFFFFFFFF  }
0x1f: {  	s28 =	simm.s32 $_size_execute0_lowered;
	s1 =	sadd.s32 s1, s4;
	[dreg:$0x0] =	wrdreg $0x0  }
0x20: {  	s4 =	sshll.u32 s28, $0x1;
	[dreg:$0x2] =	wrdreg s1  }
0x21: {  	[dreg:$0x3] =	wrdreg s4  }
0x22: {  	[dreg:$0x4] =	wrdreg $0xC0  }
0x23: {  	_ =	task [dreg:s6], $0x5FFFF  }
0x24: {  	[dreg:$0x1] =	wrdreg $0xFFFFFFFF  }
0x25: {  	[dreg:$0x0] =	wrdreg $0x60  }
0x26: {  	[dreg:$0x2] =	wrdreg s25  }
0x27: {  	[dreg:$0x3] =	wrdreg $0x9  }
0x28: {  	_ =	task.clear_ibuf [dreg:s6], $0x4FFFF;
	_ =	strace $0x90000046  }
0x29: {  	s29 =	simm.s32 $0x9;
	_ =	strace $0x80000048  }
0x2a: {  	_ =	swait.ge [sflag:s29], $0x1  }
0x2b: {  	[sflag:s29] =	ssyncadd.s32 $0xFFFFFFFF  }
0x2c: {  	_ =	strace $0x90000048  }
0x2d: {  	_ =	sfence  }
0x2e: {  	s30 =	sld [smem:$0x0];
	_ =	sdelay $0x2  }
0x2f: {  	s31 =	sshll.u32 s3, $0xD;
	s3 =	sshrl.u32 s3, $0x2  }
0x30: {  	s2 =	sand.u32 $0x4000, s31;
	s1 =	sadd.s32 s3, s30  }
0x31: {  	s0 =	sor.u32 s2, s0;
	s1 =	sshll.u32 s1, $0x11  }
0x32: {  	s0 =	sor.u32 s1, s0  }
0x33: {  	s0 =	sadd.s32 $0x8F2B, s0  }
0x34: {  	[sflag:s0] =	ssyncadd.remote.s32 $0x1  }
0x35: {  	_ =	sfence.sel $0xFFFF  }
0x36: {  	[dreg:$0x0] =	wrdreg $0xFFFFFFFF;
	(pc) =	sbr.abs _section_cstart, $3  }
0x37: {  	[dreg:$0x1] =	wrdreg $0xFFFFFFFF  }
0x38: {  	_ =	task.clear_ibuf [dreg:s6], $0x2FFFF;
	_ =	strace $0x9FFFFFFF  }
0x39: {  	(tm) =	ssettm $0x7FFFFFFF  }
tec
execute0_lowered:
.L_overlay_start_1:
0x0: {  	(tag) =	ssettag $0x1  }
0x1: {  	s0 =	rddreg [dreg:$0x0];
	s1 =	srdreg.scid  }
0x2: {  	_ =	strace $0x80000047;
	s28 =	simm.s32 $0x1;
	s30 =	simm.s32 $0x2  }
0x3: {  	s8 =	stileid.u32;
	s21 =	simm.s32 $0x0;
	s23 =	simm.s32 $0x0  }
0x4: {  	s22 =	simm.s32 $0x0;
	s24 =	simm.s32 $0x0;
	s12 =	simm.s32 $0x0  }
0x5: {  	s13 =	simm.s32 $0x0;
	s14 =	simm.s32 $0x0;
	s16 =	simm.s32 $0x0  }
0x6: {  	s15 =	simm.s32 $0x0;
	s18 =	simm.s32 $0x0;
	s9 =	sand.u32 $0x1, s1  }
0x7: {  	s2 =	sadd.s32 $0x2600, s0;
	s0 =	sadd.s32 $0x542600, s0;
	s29 =	ssub.s32 $0x60, s9  }
.Ltmp0:
0x8: {  	[dreg:$0x2] =	wrdreg s2;
	s31 =	sshrl.u32 s29, $0x1;
	(pc) =	sbr.rel .LBB1_1-.Ltmp0, $4  }
0x9: {  	s19 =	stileid.u32;
	[dreg:$0x4] =	wrdreg s0;
	s0 =	ssub.s32 s29, s31  }
0xa: {  	s20 =	simm.s32 $0x0;
	[dreg:$0x3] =	wrdreg s9;
	s10 =	sshll.u32 s0, $0x1  }
0xb: {  	[sflag:s28] =	ssyncpa.u1 $0x0;
	s11 =	sshllo.u32 s0, $0x1;
	[dreg:$0x5] =	wrdreg s10  }
0xc: {  	[sflag:s30] =	ssyncpa.u1 $0x0;
	s17 =	smov.u32 s9;
	[dreg:$0x6] =	wrdreg s11  }
.LBB1_18:
0xd: {  	s12 =	rddreg [dreg:$0x7]  }
0xe: {  	s14 =	rddreg [dreg:$0x9]  }
0xf: {  	s22 =	rddreg [dreg:$0x15]  }
0x10: {  	s4 =	rddreg [dreg:$0x14]  }
0x11: {  	s24 =	rddreg [dreg:$0x17]  }
0x12: {  	s5 =	rddreg [dreg:$0x16]  }
0x13: {  	s16 =	rddreg [dreg:$0xb]  }
0x14: {  	s13 =	rddreg [dreg:$0x8]  }
0x15: {  	s6 =	rddreg [dreg:$0x4]  }
0x16: {  	s30 =	rddreg [dreg:$0x18]  }
0x17: {  	s9 =	rddreg [dreg:$0x3]  }
0x18: {  	s10 =	rddreg [dreg:$0x5]  }
0x19: {  	s11 =	rddreg [dreg:$0x6]  }
0x1a: {  	s15 =	rddreg [dreg:$0xa]  }
0x1b: {  	s17 =	rddreg [dreg:$0xc]  }
0x1c: {  	s18 =	rddreg [dreg:$0xd]  }
0x1d: {  	s19 =	rddreg [dreg:$0xe]  }
0x1e: {  	s20 =	rddreg [dreg:$0xf]  }
0x1f: {  	s8 =	stileid.u32;
	s21 =	rddreg [dreg:$0x10]  }
0x20: {  	s0 =	sshll.u32 s12, $0x7;
	s1 =	sshll.u32 s14, $0x3;
	p0 =	sgt.s32 s14, $0x0  }
0x21: {  	s3 =	smov.u32 s12;
	s2 =	sand.u32 $0xFFFFFC00, s0;
	s1 =	sand.u32 $0xFFFFFC00, s1  }
0x22: {  	s25 =	smul.u32 $0x54000, s16;
	s1 =	sadd.s32 s1, s2;
	s2 =	smov.u32 s14  }
0x23: {  	s26 =	smul.u32 $0xE00, s13;
	s0 =	sand.u32 $0x380, s0;
	s2 =	simm.s32 @!p0 $0x0  }
0x24: {  	s27 =	sshrl.u32 s14, $0x3;
	s0 =	sor.u32 s0, s1;
	s1 =	sadd.s32 s2, s22  }
0x25: {  	s0 =	sshrl.u32 s0, $0x7;
	p0 =	sgt.s32 s1, $0x7F;
	s1 =	ssub.s32 $0x80, s1  }
0x26: {  	s23 =	smulhi.u32 $0x2492493, s0;
	s1 =	simm.s32 @p0 $0x0;
	p0 =	sgt.s32 s12, $0x60  }
0x27: {  	s31 =	sand.u32 $0x7, s14;
	s28 =	sand.u32 $0xF, s27;
	s3 =	simm.s32 @!p0 $0x60  }
0x28: {  	s2 =	sshrl.u32 s23, $0x1;
	s1 =	smul.u32 s4, s1;
	s3 =	sadd.s32 s24, s3  }
0x29: {  	s22 =	rddreg [dreg:$0x11];
	s2 =	smul.u32 $0xE0, s2;
	s4 =	sadd.s32 $0xFFFFFFA0, s3  }
0x2a: {  	s1 =	smul.u32 s5, s1;
	s3 =	ssub.s32 $0xE0, s3;
	p0 =	sgt.s32 s4, $0x7F  }
0x2b: {  	s23 =	rddreg [dreg:$0x12];
	s4 =	sadd.s32 s6, s25;
	s3 =	simm.s32 @p0 $0x0  }
0x2c: {  	s0 =	ssub.s32 s0, s2;
	s29 =	sadd.s32 s26, s4;
	s1 =	smul.u32 s3, s1  }
0x2d: {  	s24 =	rddreg [dreg:$0x13];
	s0 =	sshll.u32 s0, $0x4;
	s2 =	sadd.s32 s28, s29  }
0x2e: {  	s3 =	sor.u32 $0x8000, s30;
	s0 =	sadd.s32 s0, s2;
	s1 =	sand.u32 $0x3FFFFFFF, s1  }
0x2f: {  	[hbm4b:s0+s31] =	stream.linear.scatter [tilespmem:s3], [sflag:$0x2], s1, $0x20;
	[tilespmem:$0x10100] =	vst v63  }
.LBB1_19:
0x30: {  	p0 =	slt.u32 s20, $0x2  }
0x31: {  	s0 =	smov.u32 s24;
	s5 =	smov.u32 s17;
	p1 =	sgt.s32 @!p0 s24, $0xF  }
0x32: {  	s1 =	sshra.s32 @!p0 s24, $0x1F;
	s2 =	sshra.s32 @!p0 s23, $0x1F;
	p2 =	sgt.s32 @!p0 s21, $0x60  }
0x33: {  	s4 =	sshra.s32 @!p0 s21, $0x1F;
	p1 =	por !p1, p0;
	s1 =	sand.u32 @!p0 s1, s24  }
0x34: {  	s2 =	sand.u32 @!p0 s2, s23;
	p2 =	por !p2, p0;
	s4 =	sand.u32 @!p0 s4, s21  }
0x35: {  	s24 =	smov.u32 s16;
	s0 =	simm.s32 @p1 $0xF;
	p1 =	sgt.s32 @!p0 s23, $0x5F  }
0x36: {  	s0 =	ssub.s32 @!p0 s0, s1;
	p1 =	por !p1, p0;
	s1 =	smov.u32 s23  }
0x37: {  	s16 =	smov.u32 s19;
	s3 =	sadd.s32 @!p0 $0xFFFFFFF1, s0;
	s1 =	simm.s32 @p1 $0x5F  }
0x38: {  	s0 =	ssub.s32 @!p0 $0x10, s0;
	p1 =	sgt.s32 @!p0 s3, $0x0;
	s1 =	ssub.s32 @!p0 s1, s2  }
0x39: {  	s3 =	smov.u32 s21;
	p1 =	por !p1, p0;
	s2 =	sadd.s32 @!p0 $0xFFFFFFA1, s1  }
0x3a: {  	s0 =	simm.s32 @!p1 $0x0;
	p1 =	sgt.s32 @!p0 s2, $0x0;
	s2 =	ssub.s32 @!p0 $0x0, s22  }
0x3b: {  	s1 =	ssub.s32 @!p0 $0x60, s1;
	s3 =	simm.s32 @p2 $0x60;
	s2 =	smin.u32 @!p0 s22, s2  }
0x3c: {  	s3 =	ssub.s32 @!p0 s3, s4;
	p1 =	por !p1, p0;
	p2 =	sgt.s32 @!p0 s2, $0x7F  }
0x3d: {  	s4 =	sadd.s32 @!p0 $0xFFFFFFA0, s3;
	s2 =	ssub.s32 @!p0 $0x80, s2;
	p2 =	por !p2, p0  }
0x3e: {  	s3 =	ssub.s32 @!p0 $0xE0, s3;
	s1 =	simm.s32 @!p1 $0x0;
	s2 =	simm.s32 @!p2 $0x0  }
0x3f: {  	p1 =	sgt.s32 @!p0 s4, $0x7F;
	s0 =	smul.u32 @!p0 s0, s2;
	s2 =	sadd.s32 $0x80, s15  }
0x40: {  	s4 =	sadd.s32 $0x2, s17;
	p1 =	por !p1, p0;
	p2 =	sgt.s32 s2, $0xDF  }
0x41: {  	s3 =	simm.s32 @!p1 $0x0;
	s0 =	smul.u32 @!p0 s1, s0;
	s5 =	smov.u32 @p2 s4  }
0x42: {  	s1 =	sadd.s32 $0x80, s18;
	s4 =	smov.u32 s18;
	p1 =	sgt.s32 s5, $0x5F  }
0x43: {  	s2 =	simm.s32 @p2 $0x0;
	s0 =	smul.u32 @!p0 s3, s0;
	s4 =	smov.u32 @p1 s1  }
0x44: {  	s1 =	sadd.s32 $0x10, s19;
	s3 =	smov.u32 s19;
	p2 =	sgt.s32 s4, $0x6F  }
0x45: {  	s23 =	smov.u32 s13;
	s13 =	smov.u32 s17;
	s3 =	smov.u32 @p2 s1  }
0x46: {  	s21 =	smov.u32 s12;
	s5 =	smov.u32 @p1 s9;
	p1 =	sgt.s32 s3, $0xF  }
0x47: {  	s12 =	smov.u32 s15;
	s3 =	smov.u32 @p1 s8;
	p1 =	sne.s32 s20, s11  }
.Ltmp1:
0x48: {  	s22 =	smov.u32 s14;
	s14 =	smov.u32 s18;
	(pc) =	sbr.rel @!p1 .LBB1_20-.Ltmp1, $4  }
0x49: {  	s15 =	smov.u32 s2;
	s0 =	sand.u32 @!p0 $0x3FFFFFFF, s0;
	s1 =	simm.s32 @!p0 $0x2  }
0x4a: {  	s17 =	smov.u32 s5;
	s4 =	simm.s32 @p2 $0x0;
	_ =	swait.ge @!p0 [sflag:s1], s0  }
0x4b: {  	s0 =	ssub.s32 @!p0 $0x0, s0;
	s18 =	smov.u32 s4;
	[sflag:s1] =	ssyncset.done @!p0 $0x0  }
0x4c: {  	s20 =	sadd.s32 $0x1, s20;
	[sflag:s1] =	ssyncadd.s32 @!p0 s0;
	s19 =	smov.u32 s3  }
.LBB1_1:
0x4d: {  	p0 =	sge.u32 s20, s10  }
.Ltmp2:
0x4e: {  	_ = 	snop;
	(pc) =	sbr.rel @p0 .LBB1_3-.Ltmp2, $1  }
0x4f: {  	_ =	sdelay $0x3  }
0x50: {  	s0 =	sand.u32 $0x78, s15;
	s1 =	sshll.u32 s17, $0x8;
	s2 =	sshll.u32 s15, $0x3  }
0x51: {  	s3 =	sshll.u32 s17, $0x7;
	p0 =	sgt.s32 s19, $0xF;
	s7 =	sshra.s32 s19, $0x1F  }
0x52: {  	s4 =	smov.u32 s18;
	s5 =	sshra.s32 s18, $0x1F;
	s27 =	sshra.s32 s17, $0x1F  }
0x53: {  	s29 =	sshra.s32 s15, $0x1F;
	s30 =	sxor.u32 $0xFFFFFFFF, s20;
	s1 =	sand.u32 $0xFFFFF800, s1  }
0x54: {  	s2 =	sand.u32 $0xFFFFFC00, s2;
	s6 =	sand.u32 $0x300, s3;
	s3 =	sand.u32 $0x80, s3  }
0x55: {  	s25 =	sand.u32 s5, s18;
	s28 =	sand.u32 s27, s17;
	s27 =	rddreg [dreg:$0x2]  }
0x56: {  	s1 =	sadd.s32 s1, s2;
	s0 =	sor.u32 s0, s3;
	s2 =	smov.u32 s19  }
0x57: {  	s3 =	sand.u32 s7, s19;
	s1 =	sor.u32 s6, s1;
	s2 =	simm.s32 @!p0 $0xF  }
0x58: {  	p0 =	sgt.s32 s18, $0xFFFFFFF0;
	s0 =	sshrl.u32 s0, $0x3;
	s1 =	sshrl.u32 s1, $0x8  }
0x59: {  	s2 =	ssub.s32 s2, s3;
	s4 =	simm.s32 @!p0 $0xFFFFFFF0;
	s26 =	smulhi.u32 $0x2AAAAAB, s1  }
0x5a: {  	s6 =	sadd.s32 $0xFFFFFFF1, s2;
	s3 =	ssub.s32 s4, s25;
	s2 =	ssub.s32 $0x10, s2  }
0x5b: {  	s25 =	smul.u32 $0xC00, s18;
	p0 =	sgt.s32 s6, $0x0;
	s4 =	sadd.s32 $0x10, s3  }
0x5c: {  	s3 =	ssub.s32 $0x70, s3;
	s2 =	simm.s32 @p0 $0x0;
	p0 =	sgt.s32 s4, $0x7F  }
0x5d: {  	s6 =	sand.u32 s29, s15;
	s5 =	smul.u32 $0x60, s26;
	s3 =	simm.s32 @p0 $0x0  }
0x5e: {  	s4 =	smov.u32 s17;
	p0 =	sgt.s32 s17, $0x5F;
	s2 =	smul.u32 s2, s3  }
0x5f: {  	s4 =	simm.s32 @!p0 $0x5F;
	p0 =	sgt.s32 s15, $0x80;
	s1 =	ssub.s32 s1, s5  }
0x60: {  	s3 =	ssub.s32 s4, s28;
	s4 =	smov.u32 s15;
	s28 =	sand.u32 $0x7, s15  }
0x61: {  	s1 =	sshll.u32 s1, $0x5;
	s7 =	sadd.s32 $0xFFFFFFA1, s3;
	s4 =	simm.s32 @!p0 $0x80  }
0x62: {  	s3 =	ssub.s32 $0x60, s3;
	p0 =	sgt.s32 s7, $0x0;
	s4 =	ssub.s32 s4, s6  }
0x63: {  	s7 =	smul.u32 $0x54000, s19;
	s3 =	simm.s32 @p0 $0x0;
	s31 =	sadd.s32 $0xFFFFFF80, s4  }
0x64: {  	s2 =	smul.u32 s3, s2;
	p0 =	sgt.s32 s31, $0x7F;
	s3 =	ssub.s32 $0x100, s4  }
0x65: {  	s29 =	sshll.u32 s28, $0x12;
	s4 =	sadd.s32 s27, s7;
	s3 =	simm.s32 @p0 $0x0  }
0x66: {  	s6 =	sshll.u32 s30, $0xE;
	s4 =	sadd.s32 s25, s4;
	s2 =	smul.u32 s3, s2  }
0x67: {  	s30 =	sor.u32 $0x80, s29;
	s26 =	sand.u32 $0x4000, s6;
	s0 =	sadd.s32 s0, s4  }
0x68: {  	s31 =	simm.s32 $0x6000;
	s0 =	sadd.s32 s1, s0;
	s2 =	sand.u32 $0x3FFFFFFF, s2  }
0x69: {  	[tilespmem:s26], [sflag:$0x1] =	stream.strided.gather [hbm4b:s0+s30], s2, s31, s30, $0x38;
	[tilespmem:$0x10100] =	vst v63  }
.LBB1_3:
0x6a: {  	s0 =	sadd.s32 $0xFFFFFFFF, s20  }
0x6b: {  	p0 =	sge.u32 s0, s10  }
.Ltmp3:
0x6c: {  	_ = 	snop;
	(pc) =	sbr.rel @p0 .LBB1_19-.Ltmp3, $1  }
0x6d: {  	_ =	sdelay $0x3  }
0x6e: {  	[dreg:$0x13] =	wrdreg s24  }
0x6f: {  	[dreg:$0x12] =	wrdreg s23  }
0x70: {  	[dreg:$0x11] =	wrdreg s22  }
0x71: {  	[dreg:$0x10] =	wrdreg s21  }
0x72: {  	[dreg:$0xe] =	wrdreg s19  }
0x73: {  	[dreg:$0xd] =	wrdreg s18  }
0x74: {  	[dreg:$0xc] =	wrdreg s17  }
0x75: {  	[dreg:$0xa] =	wrdreg s15;
	p0 =	sgt.s32 s16, $0xF  }
0x76: {  	s0 =	smov.u32 s16;
	s1 =	sshra.s32 s16, $0x1F;
	s15 =	ssub.s32 $0x0, s14  }
0x77: {  	s2 =	sshra.s32 s14, $0x1F;
	p1 =	sgt.s32 s13, $0x5F;
	s3 =	smov.u32 s13  }
0x78: {  	s4 =	sshra.s32 s13, $0x1F;
	p2 =	sgt.s32 s14, $0xFFFFFFF0;
	[dreg:$0x7] =	wrdreg s12  }
0x79: {  	s5 =	smov.u32 s14;
	s22 =	ssub.s32 $0x0, s12;
	[dreg:$0xb] =	wrdreg s16  }
0x7a: {  	s23 =	sshra.s32 s12, $0x1F;
	[dreg:$0x9] =	wrdreg s14;
	s0 =	simm.s32 @!p0 $0xF  }
0x7b: {  	s1 =	sand.u32 s1, s16;
	s3 =	simm.s32 @!p1 $0x5F;
	s4 =	sand.u32 s4, s13  }
0x7c: {  	s2 =	sand.u32 s15, s2;
	s5 =	simm.s32 @!p2 $0xFFFFFFF0;
	p1 =	sgt.s32 s12, $0x80  }
0x7d: {  	s24 =	sand.u32 s22, s23;
	s0 =	ssub.s32 s0, s1;
	s17 =	ssub.s32 s3, s4  }
0x7e: {  	[dreg:$0x15] =	wrdreg s2;
	s18 =	sadd.s32 s2, s5;
	s5 =	smov.u32 s12  }
0x7f: {  	s2 =	sadd.s32 $0x1, s16;
	s1 =	sadd.s32 $0xFFFFFFF1, s0;
	s6 =	ssub.s32 $0x10, s0  }
0x80: {  	s19 =	sadd.s32 $0xFFFFFFA1, s17;
	s21 =	sadd.s32 $0x10, s18;
	s7 =	ssub.s32 $0x60, s17  }
0x81: {  	s5 =	simm.s32 @!p1 $0x80;
	s0 =	ssub.s32 $0x70, s18;
	p0 =	sgt.s32 s1, $0x0  }
0x82: {  	s1 =	sadd.s32 s24, s5;
	s6 =	simm.s32 @p0 $0x0;
	p0 =	sgt.s32 s19, $0x0  }
0x83: {  	p1 =	sgt.s32 s21, $0x7F;
	s25 =	sadd.s32 $0xFFFFFF80, s1;
	s7 =	simm.s32 @p0 $0x0  }
0x84: {  	s1 =	ssub.s32 $0x100, s1;
	p0 =	sgt.s32 s25, $0x7F;
	s26 =	smul.u32 s6, s7  }
0x85: {  	s0 =	simm.s32 @p1 $0x0;
	s1 =	simm.s32 @p0 $0x0;
	p0 =	slt.s32 s2, $0x10  }
0x86: {  	s3 =	sadd.s32 $0x80, s14;
	s2 =	simm.s32 @!p0 $0x10;
	s0 =	smul.u32 s0, s26  }
0x87: {  	[dreg:$0x8] =	wrdreg s13;
	p0 =	slt.s32 s3, $0x70;
	s2 =	ssub.s32 s2, s16  }
0x88: {  	s3 =	simm.s32 @!p0 $0x70;
	s0 =	smul.u32 s1, s0;
	s1 =	sadd.s32 $0x1, s13  }
0x89: {  	s3 =	ssub.s32 s3, s14;
	p0 =	slt.s32 s2, $0x1;
	p1 =	slt.s32 s1, $0x60  }
0x8a: {  	[dreg:$0xf] =	wrdreg s20;
	s1 =	simm.s32 @!p1 $0x60;
	p1 =	slt.s32 @!p0 s3, $0x1  }
0x8b: {  	[dreg:$0x17] =	wrdreg s24;
	s29 =	ssub.s32 s1, s13;
	p1 =	por p0, p1  }
0x8c: {  	[dreg:$0x14] =	wrdreg s6;
	p2 =	slt.s32 @!p1 s29, $0x1  }
0x8d: {  	[dreg:$0x16] =	wrdreg s7;
	p1 =	por p1, p2  }
.Ltmp4:
0x8e: {  	s28 =	simm.s32 $0x1;
	[dreg:$0x19] =	wrdreg s2;
	(pc) =	sbr.rel @p1 .LBB1_18-.Ltmp4, $4  }
0x8f: {  	[dreg:$0x1a] =	wrdreg s3;
	s27 =	sand.u32 $0x3FFFFFFF, s0;
	s0 =	sand.u32 $0x1, s20  }
0x90: {  	_ =	swait.ge [sflag:s28], s27;
	s31 =	smul.u32 $0x4080, s0  }
0x91: {  	s30 =	ssub.s32 $0x0, s27;
	[sflag:s28] =	ssyncset.done $0x0  }
0x92: {  	[sflag:s28] =	ssyncadd.s32 s30;
	[dreg:$0x18] =	wrdreg s31  }
0x93: {  	s2 =	rddreg [dreg:$0x7]  }
0x94: {  	s1 =	sadd.s32 $0x80, s2  }
0x95: {  	p1 =	slt.s32 s1, $0xE0  }
.Ltmp5:
0x96: {  	s0 =	sshll.u32 @!p0 s0, $0xE;
	s1 =	simm.s32 @!p1 $0xE0;
	(pc) =	sbr.rel .LBB1_6-.Ltmp5, $4  }
0x97: {  	[dreg:$0x1b] =	wrdreg s0;
	s1 =	ssub.s32 s1, s2  }
0x98: {  	s0 =	rddreg [dreg:$0x18];
	s2 =	sadd.s32 $0xF, s1  }
0x99: {  	s8 =	sor.u32 @!p0 $0x8000, s0;
	s30 =	sand.u32 $0xFFFFFFF0, s2;
	s31 =	sand.u32 @!p0 $0xFFFFFF00, s2  }
0x9a: {  	s1 =	simm.s32 $0x0;
	p0 =	slt.s32 s2, $0x100;
	p1 =	sge.s32 s31, s30  }
.LBB1_17:
0x9b: {  	s1 =	sadd.s32 $0x1, s1;
	s0 =	rddreg [dreg:$0x19]  }
0x9c: {  	p2 =	sne.s32 s1, s0  }
.Ltmp6:
0x9d: {  	_ = 	snop;
	(pc) =	sbr.rel @!p2 .LBB1_18-.Ltmp6, $1  }
0x9e: {  	_ =	sdelay $0x3  }
.LBB1_6:
.Ltmp7:
0x9f: {  	(pc) =	sbr.rel .LBB1_7-.Ltmp7, $4  }
0xa0: {  	_ = 	snop  }
0xa1: {  	s0 =	sshll.u32 s1, $0x10  }
0xa2: {  	s2 =	rddreg [dreg:$0x1b];
	s0 =	sshra.s32 s0, $0x2  }
0xa3: {  	s4 =	simm.s32 $0x0;
	s2 =	sadd.s32 s0, s2  }
.LBB1_16:
0xa4: {  	s4 =	sadd.s32 $0x1, s4;
	s0 =	rddreg [dreg:$0x1a]  }
0xa5: {  	p2 =	sne.s32 s4, s0  }
.Ltmp8:
0xa6: {  	_ = 	snop;
	(pc) =	sbr.rel @!p2 .LBB1_17-.Ltmp8, $1  }
0xa7: {  	_ =	sdelay $0x3  }
.LBB1_7:
0xa8: {  	s5 =	sshrl.u32 s4, $0x4  }
0xa9: {  	s0 =	sshll.u32 s4, $0x3;
	s3 =	sshll.u32 s4, $0x9;
	s6 =	sand.u32 $0x78, s5  }
0xaa: {  	s7 =	sadd.s32 $0x800, s0;
	s10 =	sadd.s32 $0x1000, s0;
	s11 =	sadd.s32 $0x1800, s0  }
0xab: {  	s25 =	sadd.s32 $0x2800, s0;
	s27 =	sadd.s32 $0x3000, s0;
	s0 =	sadd.s32 $0x3800, s0  }
0xac: {  	s9 =	smul.u32 $0x204, s6;
	s7 =	sshrl.u32 s7, $0x7;
	s6 =	sxor.u32 $0x40, s6  }
0xad: {  	s10 =	sshrl.u32 s10, $0x7;
	s7 =	sand.u32 $0x78, s7;
	s13 =	smul.u32 $0x204, s6  }
0xae: {  	s21 =	sshrl.u32 s11, $0x7;
	s20 =	sand.u32 $0x78, s10;
	s12 =	smul.u32 $0x204, s7  }
0xaf: {  	s26 =	sshrl.u32 s25, $0x7;
	s24 =	sand.u32 $0x78, s21;
	s22 =	smul.u32 $0x204, s20  }
0xb0: {  	s0 =	sshrl.u32 s0, $0x7;
	s6 =	sand.u32 $0x78, s26;
	s10 =	smul.u32 $0x204, s24  }
0xb1: {  	s3 =	sshra.s32 s3, $0x2;
	s0 =	sand.u32 $0x78, s0;
	s14 =	smul.u32 $0x204, s6  }
0xb2: {  	s3 =	sadd.s32 s3, s2;
	s0 =	smul.u32 $0x204, s0  }
.Ltmp9:
0xb3: {  	s26 =	simm.s32 $0x0;
	s7 =	sshrl.u32 s27, $0x7;
	(pc) =	sbr.rel .LBB1_8-.Ltmp9, $4  }
0xb4: {  	s23 =	sshrl.u32 s9, $0x2;
	s28 =	sand.u32 $0x78, s7;
	s7 =	sand.u32 $0x7F, s4  }
0xb5: {  	s19 =	sshrl.u32 s13, $0x2;
	s15 =	smul.u32 $0x204, s28;
	s6 =	sadd.s32 s7, s8  }
0xb6: {  	s25 =	sshrl.u32 s12, $0x2;
	s22 =	sshrl.u32 s22, $0x2;
	s24 =	sshrl.u32 s10, $0x2  }
0xb7: {  	s18 =	sshrl.u32 s14, $0x2;
	s13 =	sshrl.u32 s0, $0x2;
	s10 =	sshrl.u32 s15, $0x2  }
.LBB1_15:
0xb8: {  	s26 =	sadd.s32 $0x1, s26  }
0xb9: {  	p2 =	sne.s32 s26, s29  }
.Ltmp10:
0xba: {  	_ = 	snop;
	(pc) =	sbr.rel @!p2 .LBB1_16-.Ltmp10, $1  }
0xbb: {  	_ =	sdelay $0x3  }
.LBB1_8:
.Ltmp11:
0xbc: {  	(pc) =	sbr.rel @p0 .LBB1_12-.Ltmp11, $2  }
0xbd: {  	_ =	sdelay $0x2  }
0xbe: {  	s20 =	sshll.u32 s26, $0x7;
	s21 =	sadd.s32 s1, s26  }
0xbf: {  	s0 =	smul.u32 $0x10200, s21;
	s9 =	sand.u32 $0x380, s20  }
0xc0: {  	s9 =	sadd.s32 s9, s3  }
0xc1: {  	s0 =	sshra.s32 s0, $0x2;
	v1 =	vld [tilespmem:s9+$0x50]  }
0xc2: {  	v2 =	vld [tilespmem:s9+$0x40];
	s0 =	sadd.s32 s0, s8  }
0xc3: {  	v4 =	vld [tilespmem:s9+$0x30];
	s11 =	sadd.s32 s23, s0;
	s14 =	sadd.s32 s25, s0  }
0xc4: {  	v5 =	vld [tilespmem:s9+$0x20];
	s27 =	sadd.s32 s19, s0;
	s12 =	sadd.s32 s7, s11;
	s11 =	sadd.s32 s18, s0  }
0xc5: {  	v6 =	vld [tilespmem:s9+$0x10];
	s15 =	sadd.s32 s7, s14;
	s14 =	sadd.s32 s22, s0;
	s11 =	sadd.s32 s7, s11  }
0xc6: {  	v7 =	vld [tilespmem:s9+$0x0];
	s16 =	sadd.s32 s24, s0;
	s17 =	sadd.s32 s7, s14;
	s14 =	sadd.s32 s7, s27;
	[tilespmem:s11+$0x0 ss:$0x81] =	vst.msk $0xffff, v1  }
0xc7: {  	s16 =	sadd.s32 s7, s16;
	[tilespmem:s14+$0x0 ss:$0x81] =	vst.msk $0xffff, v2  }
0xc8: {  	[tilespmem:s16+$0x0 ss:$0x81] =	vst.msk $0xffff, v4  }
0xc9: {  	[tilespmem:s17+$0x0 ss:$0x81] =	vst.msk $0xffff, v5  }
0xca: {  	v0 =	vld [tilespmem:s9+$0x70];
	[tilespmem:s15+$0x0 ss:$0x81] =	vst.msk $0xffff, v6  }
0xcb: {  	p2 =	sgt.s32 s31, $0x100;
	v3 =	vld [tilespmem:s9+$0x60];
	[tilespmem:s12+$0x0 ss:$0x81] =	vst.msk $0xffff, v7  }
.Ltmp12:
0xcc: {  	[tilespmem:s12+$0x0 ss:$0x81] =	vst.msk $0xffff, v7;
	(pc) =	sbr.rel @!p2 .LBB1_11-.Ltmp12, $4  }
0xcd: {  	s27 =	sadd.s32 s10, s0;
	s0 =	sadd.s32 s13, s0;
	[tilespmem:s15+$0x0 ss:$0x81] =	vst.msk $0xffff, v6  }
0xce: {  	s0 =	sadd.s32 s7, s0;
	[tilespmem:s17+$0x0 ss:$0x81] =	vst.msk $0xffff, v5  }
0xcf: {  	s27 =	sadd.s32 s7, s27;
	[tilespmem:s0+$0x0 ss:$0x81] =	vst.msk $0xffff, v0  }
0xd0: {  	s28 =	simm.s32 $0x100;
	[tilespmem:s27+$0x0 ss:$0x81] =	vst.msk $0xffff, v3  }
.LBB1_10:
0xd1: {  	v5 =	vld [tilespmem:s9+$0x70];
	[tilespmem:s16+$0x0 ss:$0x81] =	vst.msk $0xffff, v4  }
0xd2: {  	v6 =	vld [tilespmem:s9+$0x60];
	[tilespmem:s14+$0x0 ss:$0x81] =	vst.msk $0xffff, v2  }
0xd3: {  	[tilespmem:s11+$0x0 ss:$0x81] =	vst.msk $0xffff, v1;
	v1 =	vld [tilespmem:s9+$0x50]  }
0xd4: {  	v2 =	vld [tilespmem:s9+$0x40];
	[tilespmem:s27+$0x0 ss:$0x81] =	vst.msk $0xffff, v3  }
0xd5: {  	v4 =	vld [tilespmem:s9+$0x30];
	[tilespmem:s0+$0x0 ss:$0x81] =	vst.msk $0xffff, v0  }
0xd6: {  	v7 =	vld [tilespmem:s9+$0x20];
	[tilespmem:s0+$0x0 ss:$0x81] =	vst.msk $0xffff, v5;
	v0 =	vmov v5  }
0xd7: {  	v5 =	vld [tilespmem:s9+$0x10];
	[tilespmem:s27+$0x0 ss:$0x81] =	vst.msk $0xffff, v6;
	v3 =	vmov v6  }
0xd8: {  	s28 =	sadd.s32 $0x100, s28;
	v6 =	vld [tilespmem:s9+$0x0];
	[tilespmem:s11+$0x0 ss:$0x81] =	vst.msk $0xffff, v1  }
0xd9: {  	p2 =	slt.s32 s28, s31;
	[tilespmem:s14+$0x0 ss:$0x81] =	vst.msk $0xffff, v2  }
0xda: {  	[tilespmem:s16+$0x0 ss:$0x81] =	vst.msk $0xffff, v4  }
0xdb: {  	[tilespmem:s17+$0x0 ss:$0x81] =	vst.msk $0xffff, v7  }
.Ltmp13:
0xdc: {  	[tilespmem:s15+$0x0 ss:$0x81] =	vst.msk $0xffff, v5;
	(pc) =	sbr.rel @p2 .LBB1_10-.Ltmp13, $4  }
0xdd: {  	[tilespmem:s12+$0x0 ss:$0x81] =	vst.msk $0xffff, v6  }
0xde: {  	[tilespmem:s12+$0x0 ss:$0x81] =	vst.msk $0xffff, v6  }
0xdf: {  	[tilespmem:s15+$0x0 ss:$0x81] =	vst.msk $0xffff, v5  }
0xe0: {  	[tilespmem:s17+$0x0 ss:$0x81] =	vst.msk $0xffff, v7  }
.LBB1_11:
0xe1: {  	[tilespmem:s16+$0x0 ss:$0x81] =	vst.msk $0xffff, v4  }
0xe2: {  	[tilespmem:s14+$0x0 ss:$0x81] =	vst.msk $0xffff, v2  }
0xe3: {  	[tilespmem:s11+$0x0 ss:$0x81] =	vst.msk $0xffff, v1  }
0xe4: {  	[tilespmem:s27+$0x0 ss:$0x81] =	vst.msk $0xffff, v3  }
0xe5: {  	[tilespmem:s0+$0x0 ss:$0x81] =	vst.msk $0xffff, v0  }
.LBB1_12:
.Ltmp14:
0xe6: {  	(pc) =	sbr.rel @p1 .LBB1_15-.Ltmp14, $1  }
0xe7: {  	_ =	sdelay $0x3  }
0xe8: {  	s9 =	sand.u32 $0x380, s20  }
0xe9: {  	s0 =	smul.u32 $0x10200, s21;
	s9 =	sadd.s32 s9, s3  }
0xea: {  	v0 =	vmov s9  }
0xeb: {  	s0 =	sshra.s32 s0, $0x2  }
0xec: {  	s9 =	smov.u32 s31;
	s0 =	sadd.s32 s0, s6  }
.LBB1_14:
0xed: {  	s12 =	sadd.s32 s9, s5  }
0xee: {  	s11 =	sand.u32 $0x70, s9;
	s9 =	sadd.s32 $0x10, s9;
	s28 =	sand.u32 $0x78, s12  }
0xef: {  	v1 =	vld.idx.msk [tilespmem:v0+s11+$0x0 ss:$0x1], $0xffff;
	p2 =	slt.s32 s9, s30;
	s11 =	smul.u32 $0x204, s28  }
.Ltmp15:
0xf0: {  	_ = 	snop;
	(pc) =	sbr.rel @p2 .LBB1_14-.Ltmp15, $4  }
0xf1: {  	_ = 	snop  }
0xf2: {  	s11 =	sshrl.u32 s11, $0x2  }
0xf3: {  	s11 =	sadd.s32 s11, s0  }
0xf4: {  	[tilespmem:s11+$0x0 ss:$0x81] =	vst.msk $0xffff, v1  }
.Ltmp16:
0xf5: {  	_ = 	snop;
	(pc) =	sbr.rel .LBB1_15-.Ltmp16, $1  }
0xf6: {  	_ =	sdelay $0x3  }
.LBB1_20:
0xf7: {  	_ =	sfence.sel $0x180000  }
0xf8: {  	s0 =	simm.s32 $0x1;
	[bflag:$0x0] =	sbarrier.arrive $0xFFFF  }
0xf9: {  	s31 =	simm.s32 $0x2;
	[sflag:s0] =	ssyncpa.u1 $0x1  }
0xfa: {  	[sflag:s31] =	ssyncpa.u1 $0x1  }
0xfb: {  	_ =	strace $0x90000047  }
0xfc: {  	[bflag:$0x2] =	sbarrier.arrive $0xFFFF  }
0xfd: {  	p0 =	sne.s32 s8, $0x0;
	s0 =	rddreg [dreg:$0x1]  }
0xfe: {  	s0 =	sadd.s32 @!p0 $0x100000, s0  }
0xff: {  	[sflag:s0] =	ssyncadd.tile.s32 @!p0 $0x1;
	_ =	shalt  }
.Lfunc_end1:
_tile_overlayer_lowered:
.L_overlay_start_2:
0x100: {  	(tag) =	ssettag $0x2  }
0x101: {  	s0 =	rddreg [dreg:$0x0];
	s2 =	stileid.u32  }
0x102: {  	s1 =	rddreg [dreg:$0x1];
	p0 =	sne.s32 s2, $0x0  }
0x103: {  	s3 =	rddreg [dreg:$0x2];
	[bflag:$0x3] =	sbarrier.arrive $0xFFFF;
	s2 =	simm.s32 @!p0 $0x1C01  }
0x104: {  	[timem:s3], [sflag:s2] =	dma.local @!p0 [hbm:s0], s1  }
0x105: {  	s0 =	simm.s32 @!p0 $0x1  }
0x106: {  	_ =	swait.ge @!p0 [sflag:s0], s1  }
0x107: {  	s1 =	ssub.s32 @!p0 $0x0, s1;
	[sflag:s0] =	ssyncset.done @!p0 $0x0  }
0x108: {  	[sflag:s0] =	ssyncadd.s32 @!p0 s1  }
0x109: {  	[bflag:$0x3] =	sbarrier.arrive $0xFFFF  }
0x10a: {  	_ =	shalt  }

</sc_bundles>
